<compile_context>
chip_gen: v7x
topology: tpu7x:2x2x1
jax: 0.10.2.dev20260603
libtpu: 0.0.44.dev20260713+nightly
codegen_flags: <defaults>
</compile_context>

<pallas_src>
import functools

import jax
import jax.numpy as jnp
from jax import lax
from jax.experimental import pallas as pl
from jax.experimental.pallas import tpu as pltpu
from jax.experimental.pallas import tpu_sc as plsc

N = 10000
C = 256
E = 160000
CH = C // 2
NS = 16
EPT = E // NS
CHUNK = 125
NCHUNK = EPT // CHUNK
N_PAD = 10240
RPT = N_PAD // NS


def _sc_segment_sum(m2, src2, dst3, zeros):
    mesh = plsc.VectorSubcoreMesh(core_axis_name="c", subcore_axis_name="s")

    @functools.partial(
        pl.kernel,
        out_type=jax.ShapeDtypeStruct((2 * N_PAD, CH), jnp.float32),
        mesh=mesh,
        scratch_types=[
            pltpu.VMEM((NCHUNK, CHUNK), jnp.int32),
            pltpu.VMEM((NCHUNK, CHUNK), jnp.int32),
            pltpu.VMEM((CHUNK, CH), jnp.float32),
            pltpu.VMEM_SHARED((N_PAD, CH), jnp.float32),
            pltpu.SemaphoreType.DMA,
        ],
    )
    def k(m2_hbm, src_hbm, dst_hbm, zeros_hbm, out_hbm, src_v, dst_v, buf,
          acc, sem):
        cid = lax.axis_index("c")
        sid = lax.axis_index("s")
        pltpu.sync_copy(src_hbm.at[cid, sid], src_v)
        pltpu.sync_copy(dst_hbm.at[sid], dst_v)
        pltpu.sync_copy(zeros_hbm.at[pl.ds(sid * RPT, RPT)],
                        acc.at[pl.ds(sid * RPT, RPT)])
        plsc.subcore_barrier()

        def body(j, carry):
            pltpu.async_copy(m2_hbm.at[src_v.at[j]], buf, sem).wait()
            pltpu.sync_copy(buf, acc.at[dst_v.at[j]], add=True)
            return carry

        lax.fori_loop(0, NCHUNK, body, 0)
        plsc.subcore_barrier()
        pltpu.sync_copy(acc.at[pl.ds(sid * RPT, RPT)],
                        out_hbm.at[pl.ds(cid * N_PAD + sid * RPT, RPT)])

    return k(m2, src2, dst3, zeros)


_BN = 1000


def _tc_mm(x, w):

    def body(x_ref, w_ref, out_ref):
        m = jnp.dot(x_ref[...], w_ref[...], preferred_element_type=jnp.float32)
        out_ref[0] = m[:, :CH]
        out_ref[1] = m[:, CH:]

    return pl.pallas_call(
        body,
        grid=(N // _BN,),
        in_specs=[
            pl.BlockSpec((_BN, C), lambda i: (i, 0)),
            pl.BlockSpec((C, C), lambda i: (0, 0)),
        ],
        out_specs=pl.BlockSpec((2, _BN, CH), lambda i: (0, i, 0)),
        out_shape=jax.ShapeDtypeStruct((2, N, CH), jnp.float32),
    )(x, w)


def _gru_block(s_ref, h_ref, wih_ref, whh_ref, bih_ref, bhh_ref):
    agg = jnp.concatenate([s_ref[0], s_ref[1]], axis=1)
    h = h_ref[...]
    gi = lax.dot_general(agg, wih_ref[...], (((1,), (1,)), ((), ())),
                         preferred_element_type=jnp.float32) + bih_ref[...]
    gh = lax.dot_general(h, whh_ref[...], (((1,), (1,)), ((), ())),
                         preferred_element_type=jnp.float32) + bhh_ref[...]
    r = jax.nn.sigmoid(gi[:, :C] + gh[:, :C])
    z = jax.nn.sigmoid(gi[:, C:2 * C] + gh[:, C:2 * C])
    n = jnp.tanh(gi[:, 2 * C:] + r * gh[:, 2 * C:])
    return (1.0 - z) * n + z * h


_SPECS = [
    pl.BlockSpec((2, _BN, CH), lambda i: (0, i, 0)),
    pl.BlockSpec((_BN, C), lambda i: (i, 0)),
    pl.BlockSpec((3 * C, C), lambda i: (0, 0)),
    pl.BlockSpec((3 * C, C), lambda i: (0, 0)),
    pl.BlockSpec((1, 3 * C), lambda i: (0, 0)),
    pl.BlockSpec((1, 3 * C), lambda i: (0, 0)),
]


def _tc_gru_mm(s3, h, w_next, w_ih, w_hh, b_ih2, b_hh2):

    def body(s_ref, h_ref, wih_ref, whh_ref, bih_ref, bhh_ref, wn_ref,
             hout_ref, mout_ref):
        hn = _gru_block(s_ref, h_ref, wih_ref, whh_ref, bih_ref, bhh_ref)
        hout_ref[...] = hn
        m = jnp.dot(hn, wn_ref[...], preferred_element_type=jnp.float32)
        mout_ref[0] = m[:, :CH]
        mout_ref[1] = m[:, CH:]

    return pl.pallas_call(
        body,
        grid=(N // _BN,),
        in_specs=_SPECS + [pl.BlockSpec((C, C), lambda i: (0, 0))],
        out_specs=[
            pl.BlockSpec((_BN, C), lambda i: (i, 0)),
            pl.BlockSpec((2, _BN, CH), lambda i: (0, i, 0)),
        ],
        out_shape=[
            jax.ShapeDtypeStruct((N, C), jnp.float32),
            jax.ShapeDtypeStruct((2, N, CH), jnp.float32),
        ],
    )(s3, h, w_ih, w_hh, b_ih2, b_hh2, w_next)


def _tc_gru(s3, h, w_ih, w_hh, b_ih2, b_hh2):

    def body(s_ref, h_ref, wih_ref, whh_ref, bih_ref, bhh_ref, hout_ref):
        hout_ref[...] = _gru_block(s_ref, h_ref, wih_ref, whh_ref, bih_ref, bhh_ref)

    return pl.pallas_call(
        body,
        grid=(N // _BN,),
        in_specs=_SPECS,
        out_specs=pl.BlockSpec((_BN, C), lambda i: (i, 0)),
        out_shape=jax.ShapeDtypeStruct((N, C), jnp.float32),
    )(s3, h, w_ih, w_hh, b_ih2, b_hh2)


def kernel(x, edge_index, edge_attr, weight, w_ih, w_hh, b_ih, b_hh):
    src = edge_index[0].astype(jnp.int32)
    dst = edge_index[1].astype(jnp.int32)
    srcr = src.reshape(NS, NCHUNK, CHUNK)
    src2 = jnp.stack([srcr, srcr + N])
    dst3 = dst.reshape(NS, NCHUNK, CHUNK)
    zeros = jnp.zeros((N_PAD, CH), jnp.float32)
    b_ih2 = b_ih.reshape(1, 3 * C)
    b_hh2 = b_hh.reshape(1, 3 * C)
    num_layers = weight.shape[0]
    h = x
    m3 = _tc_mm(x, weight[0])
    for i in range(num_layers):
        s2 = _sc_segment_sum(m3.reshape(2 * N, CH), src2, dst3, zeros)
        s3 = s2.reshape(2, N_PAD, CH)
        if i + 1 < num_layers:
            h, m3 = _tc_gru_mm(s3, h, weight[i + 1], w_ih, w_hh, b_ih2, b_hh2)
        else:
            h = _tc_gru(s3, h, w_ih, w_hh, b_ih2, b_hh2)
    return h

# --- scband reference (transcript-rebuilt; emitter-appended) ---
"""Pipeline reference for scband-gated-graph-conv-10995116277972 (READ-ONLY COPY).

The authoritative reference and input builder live on the scoring server;
editing this copy changes nothing except your own understanding.
"""

import jax, jax.numpy as jnp
import numpy as np

C = 256
L = 3
N = 10000
E = 160000
D_EDGE = 16


def setup_inputs(seed: int = 0) -> dict:
    key = jax.random.key(seed)
    k = jax.random.split(key, 8)
    x = jax.random.normal(k[0], (N, C), dtype=jnp.float32)
    edge_index = jax.random.randint(k[1], (2, E), 0, N, dtype=jnp.int64)
    edge_attr = jax.random.normal(k[2], (E, D_EDGE), dtype=jnp.float32)
    # GatedGraphConv per-layer propagation weights [L, C, C]
    weight = jax.random.normal(k[3], (L, C, C), dtype=jnp.float32) * (1.0 / np.sqrt(C))
    # GRUCell parameters (PyTorch layout: [3C, C] for ih and hh)
    w_ih = jax.random.normal(k[4], (3 * C, C), dtype=jnp.float32) * (1.0 / np.sqrt(C))
    w_hh = jax.random.normal(k[5], (3 * C, C), dtype=jnp.float32) * (1.0 / np.sqrt(C))
    b_ih = jax.random.normal(k[6], (3 * C,), dtype=jnp.float32) * 0.01
    b_hh = jax.random.normal(k[7], (3 * C,), dtype=jnp.float32) * 0.01
    return {"x": x, "edge_index": edge_index, "edge_attr": edge_attr,
            "weight": weight, "w_ih": w_ih, "w_hh": w_hh, "b_ih": b_ih, "b_hh": b_hh}


def _gru_cell(inp, h, w_ih, w_hh, b_ih, b_hh):
    gi = inp @ w_ih.T + b_ih
    gh = h @ w_hh.T + b_hh
    i_r, i_z, i_n = jnp.split(gi, 3, axis=1)
    h_r, h_z, h_n = jnp.split(gh, 3, axis=1)
    r = jax.nn.sigmoid(i_r + h_r)
    z = jax.nn.sigmoid(i_z + h_z)
    n = jnp.tanh(i_n + r * h_n)
    return (1.0 - z) * n + z * h


def reference(x, edge_index, edge_attr, weight, w_ih, w_hh, b_ih, b_hh):
    # Faithful PyG GatedGraphConv: for each layer i,
    #   m = h @ weight[i]; agg[dst] += m[src] (add aggregation); h = GRUCell(agg, h)
    # edge_attr is accepted but unused, matching the wrapper's forward.
    src = edge_index[0]
    dst = edge_index[1]
    h = x  # x.size(-1) == out_channels, so no zero padding needed
    num_layers = weight.shape[0]
    for i in range(num_layers):
        m = h @ weight[i]
        msgs = jnp.take(m, src, axis=0)
        agg = jnp.zeros_like(h).at[dst].add(msgs)
        h = _gru_cell(agg, h, w_ih, w_hh, b_ih, b_hh)
    return h

if __name__ == "__main__":
    import jax
    _d = setup_inputs()
    print(jax.jit(kernel)(*tuple(_d.values())))

</pallas_src>

<mosaic_0001>
#map = affine_map<(d0, d1) -> (0, 0)>
#map1 = affine_map<(d0, d1) -> (0, 0, 0, 0)>
#map2 = affine_map<(d0, d1) -> (0, 0, 0)>
module attributes {stable_mosaic.version = 14 : i64} {
  func.func @k(%arg0: i32, %arg1: i32, %arg2: memref<20000x128xf32, #tpu.memory_space<hbm>>, %arg3: memref<2x16x80x125xi32, #tpu.memory_space<hbm>>, %arg4: memref<16x80x125xi32, #tpu.memory_space<hbm>>, %arg5: memref<10240x128xf32, #tpu.memory_space<hbm>>, %arg6: memref<20480x128xf32, #tpu.memory_space<hbm>>, %arg7: memref<80x125xi32, #tpu.memory_space<vmem>>, %arg8: memref<80x125xi32, #tpu.memory_space<vmem>>, %arg9: memref<125x128xf32, #tpu.memory_space<vmem>>, %arg10: memref<10240x128xf32, #tpu.memory_space<vmem_shared>>, %arg11: memref<!tpu.dma_semaphore, #tpu.memory_space<semaphore_mem>>) attributes {dimension_semantics = [#tpu.dimension_semantics<core_parallel>, #tpu.dimension_semantics<subcore_parallel>], iteration_bounds = array<i64: 2, 16>, scalar_prefetch = 0 : i64, scratch_operands = 5 : i64, tpu.core_type = #tpu.core_type<sc_vector_subcore>, window_params = [{transform_indices = #map}, {transform_indices = #map1}, {transform_indices = #map2}, {transform_indices = #map}, {transform_indices = #map}]} {
    "tpu.region"() ({
      %run_scoped3A = tpu.sem_alloc : memref<!tpu.dma_semaphore, #tpu.memory_space<semaphore_mem>>
      %dma_start3A = arith.constant 0 : i32
      %dma_start3A_15 = arith.constant 0 : i32
      %dma_start3A_16 = tpu.memref_slice %arg3[%arg0, %arg1, %dma_start3A, %dma_start3A_15] : memref<2x16x80x125xi32, #tpu.memory_space<hbm>> -> memref<1x1x80x125xi32, #tpu.memory_space<hbm>>
      %dma_start3A_17 = tpu.memref_squeeze %dma_start3A_16 : memref<1x1x80x125xi32, #tpu.memory_space<hbm>> -> memref<80x125xi32, #tpu.memory_space<hbm>>
      %dma_start3A_18 = arith.constant 0 : i32
      %dma_start3A_19 = arith.constant 0 : i32
      %dma_start3A_20 = tpu.memref_slice %arg3[%arg0, %arg1, %dma_start3A_18, %dma_start3A_19] : memref<2x16x80x125xi32, #tpu.memory_space<hbm>> -> memref<1x1x80x125xi32, #tpu.memory_space<hbm>>
      %dma_start3A_21 = tpu.memref_squeeze %dma_start3A_20 : memref<1x1x80x125xi32, #tpu.memory_space<hbm>> -> memref<80x125xi32, #tpu.memory_space<hbm>>
      tpu.enqueue_dma source(%dma_start3A_21 : memref<80x125xi32, #tpu.memory_space<hbm>>) target(%arg7 : memref<80x125xi32, #tpu.memory_space<vmem>>) target_semaphore(%run_scoped3A : memref<!tpu.dma_semaphore, #tpu.memory_space<semaphore_mem>>)
      %dma_wait3A = arith.constant 0 : i32
      %dma_wait3A_22 = arith.constant 0 : i32
      %dma_wait3A_23 = tpu.memref_slice %arg3[%arg0, %arg1, %dma_wait3A, %dma_wait3A_22] : memref<2x16x80x125xi32, #tpu.memory_space<hbm>> -> memref<1x1x80x125xi32, #tpu.memory_space<hbm>>
      %dma_wait3A_24 = tpu.memref_squeeze %dma_wait3A_23 : memref<1x1x80x125xi32, #tpu.memory_space<hbm>> -> memref<80x125xi32, #tpu.memory_space<hbm>>
      %dma_wait3A_25 = arith.constant 0 : i32
      %dma_wait3A_26 = arith.constant 0 : i32
      %dma_wait3A_27 = tpu.memref_slice %arg3[%arg0, %arg1, %dma_wait3A_25, %dma_wait3A_26] : memref<2x16x80x125xi32, #tpu.memory_space<hbm>> -> memref<1x1x80x125xi32, #tpu.memory_space<hbm>>
      %dma_wait3A_28 = tpu.memref_squeeze %dma_wait3A_27 : memref<1x1x80x125xi32, #tpu.memory_space<hbm>> -> memref<80x125xi32, #tpu.memory_space<hbm>>
      tpu.wait_dma2 semaphore(%run_scoped3A : memref<!tpu.dma_semaphore, #tpu.memory_space<semaphore_mem>>) src(%dma_wait3A_28 : memref<80x125xi32, #tpu.memory_space<hbm>>) dst(%arg7 : memref<80x125xi32, #tpu.memory_space<vmem>>)
      tpu.yield
    }) : () -> ()
    "tpu.region"() ({
      %run_scoped3A = tpu.sem_alloc : memref<!tpu.dma_semaphore, #tpu.memory_space<semaphore_mem>>
      %dma_start3A = arith.constant 0 : i32
      %dma_start3A_15 = arith.constant 0 : i32
      %dma_start3A_16 = tpu.memref_slice %arg4[%arg1, %dma_start3A, %dma_start3A_15] : memref<16x80x125xi32, #tpu.memory_space<hbm>> -> memref<1x80x125xi32, #tpu.memory_space<hbm>>
      %dma_start3A_17 = tpu.memref_squeeze %dma_start3A_16 : memref<1x80x125xi32, #tpu.memory_space<hbm>> -> memref<80x125xi32, #tpu.memory_space<hbm>>
      %dma_start3A_18 = arith.constant 0 : i32
      %dma_start3A_19 = arith.constant 0 : i32
      %dma_start3A_20 = tpu.memref_slice %arg4[%arg1, %dma_start3A_18, %dma_start3A_19] : memref<16x80x125xi32, #tpu.memory_space<hbm>> -> memref<1x80x125xi32, #tpu.memory_space<hbm>>
      %dma_start3A_21 = tpu.memref_squeeze %dma_start3A_20 : memref<1x80x125xi32, #tpu.memory_space<hbm>> -> memref<80x125xi32, #tpu.memory_space<hbm>>
      tpu.enqueue_dma source(%dma_start3A_21 : memref<80x125xi32, #tpu.memory_space<hbm>>) target(%arg8 : memref<80x125xi32, #tpu.memory_space<vmem>>) target_semaphore(%run_scoped3A : memref<!tpu.dma_semaphore, #tpu.memory_space<semaphore_mem>>)
      %dma_wait3A = arith.constant 0 : i32
      %dma_wait3A_22 = arith.constant 0 : i32
      %dma_wait3A_23 = tpu.memref_slice %arg4[%arg1, %dma_wait3A, %dma_wait3A_22] : memref<16x80x125xi32, #tpu.memory_space<hbm>> -> memref<1x80x125xi32, #tpu.memory_space<hbm>>
      %dma_wait3A_24 = tpu.memref_squeeze %dma_wait3A_23 : memref<1x80x125xi32, #tpu.memory_space<hbm>> -> memref<80x125xi32, #tpu.memory_space<hbm>>
      %dma_wait3A_25 = arith.constant 0 : i32
      %dma_wait3A_26 = arith.constant 0 : i32
      %dma_wait3A_27 = tpu.memref_slice %arg4[%arg1, %dma_wait3A_25, %dma_wait3A_26] : memref<16x80x125xi32, #tpu.memory_space<hbm>> -> memref<1x80x125xi32, #tpu.memory_space<hbm>>
      %dma_wait3A_28 = tpu.memref_squeeze %dma_wait3A_27 : memref<1x80x125xi32, #tpu.memory_space<hbm>> -> memref<80x125xi32, #tpu.memory_space<hbm>>
      tpu.wait_dma2 semaphore(%run_scoped3A : memref<!tpu.dma_semaphore, #tpu.memory_space<semaphore_mem>>) src(%dma_wait3A_28 : memref<80x125xi32, #tpu.memory_space<hbm>>) dst(%arg8 : memref<80x125xi32, #tpu.memory_space<vmem>>)
      tpu.yield
    }) : () -> ()
    %mul3A = arith.constant 640 : i32
    %mul3A_0 = arith.muli %arg1, %mul3A : i32
    %mul3A_1 = arith.constant 640 : i32
    %mul3A_2 = arith.muli %arg1, %mul3A_1 : i32
    "tpu.region"() ({
      %run_scoped3A = tpu.sem_alloc : memref<!tpu.dma_semaphore, #tpu.memory_space<semaphore_mem>>
      %dma_start3A = arith.constant 0 : i32
      %dma_start3A_15 = tpu.memref_slice %arg10[%mul3A_2, %dma_start3A] : memref<10240x128xf32, #tpu.memory_space<vmem_shared>> -> memref<640x128xf32, #tpu.memory_space<vmem_shared>>
      %dma_start3A_16 = arith.constant 0 : i32
      %dma_start3A_17 = tpu.memref_slice %arg5[%mul3A_0, %dma_start3A_16] : memref<10240x128xf32, #tpu.memory_space<hbm>> -> memref<640x128xf32, #tpu.memory_space<hbm>>
      tpu.enqueue_dma source(%dma_start3A_17 : memref<640x128xf32, #tpu.memory_space<hbm>>) target(%dma_start3A_15 : memref<640x128xf32, #tpu.memory_space<vmem_shared>>) target_semaphore(%run_scoped3A : memref<!tpu.dma_semaphore, #tpu.memory_space<semaphore_mem>>)
      %dma_wait3A = arith.constant 0 : i32
      %dma_wait3A_18 = tpu.memref_slice %arg10[%mul3A_2, %dma_wait3A] : memref<10240x128xf32, #tpu.memory_space<vmem_shared>> -> memref<640x128xf32, #tpu.memory_space<vmem_shared>>
      %dma_wait3A_19 = arith.constant 0 : i32
      %dma_wait3A_20 = tpu.memref_slice %arg5[%mul3A_0, %dma_wait3A_19] : memref<10240x128xf32, #tpu.memory_space<hbm>> -> memref<640x128xf32, #tpu.memory_space<hbm>>
      tpu.wait_dma2 semaphore(%run_scoped3A : memref<!tpu.dma_semaphore, #tpu.memory_space<semaphore_mem>>) src(%dma_wait3A_20 : memref<640x128xf32, #tpu.memory_space<hbm>>) dst(%dma_wait3A_18 : memref<640x128xf32, #tpu.memory_space<vmem_shared>>)
      tpu.yield
    }) : () -> ()
    %barrier3A = arith.constant 0 : index
    tpu.barrier barrier_id(%barrier3A)
    %scan3A = arith.constant 0 : i32
    %scan3A_3 = arith.constant 0 : i32
    %scan3A_4 = arith.constant 80 : i32
    %scan3A_5 = arith.addi %scan3A_3, %scan3A_4 : i32
    %scan3A_6 = arith.constant 1 : i32
    scf.for %scan3A_15 = %scan3A_3 to %scan3A_5 step %scan3A_6  : i32 {
      %dma_start3A = arith.constant 0 : i32
      %dma_start3A_16 = tpu.memref_slice %arg7[%scan3A_15, %dma_start3A] : memref<80x125xi32, #tpu.memory_space<vmem>> -> memref<1x125xi32, #tpu.memory_space<vmem>>
      %dma_start3A_17 = tpu.memref_squeeze %dma_start3A_16 : memref<1x125xi32, #tpu.memory_space<vmem>> -> memref<125xi32, #tpu.memory_space<vmem>>
      %dma_start3A_18 = arith.constant 0 : i32
      %dma_start3A_19 = arith.constant 0 : i32
      %dma_start3A_20 = tpu.memref_slice %arg2[%dma_start3A_18, %dma_start3A_19] : memref<20000x128xf32, #tpu.memory_space<hbm>> -> memref<20000x128xf32, #tpu.memory_space<hbm>>
      tpu.enqueue_indirect_dma source(%dma_start3A_20 : memref<20000x128xf32, #tpu.memory_space<hbm>>) target(%arg9 : memref<125x128xf32, #tpu.memory_space<vmem>>) offsets(%dma_start3A_17 : memref<125xi32, #tpu.memory_space<vmem>>) semaphore(%arg11 : memref<!tpu.dma_semaphore, #tpu.memory_space<semaphore_mem>>)
      %dma_wait3A = arith.constant 0 : i32
      %dma_wait3A_21 = tpu.memref_slice %arg7[%scan3A_15, %dma_wait3A] : memref<80x125xi32, #tpu.memory_space<vmem>> -> memref<1x125xi32, #tpu.memory_space<vmem>>
      %dma_wait3A_22 = tpu.memref_squeeze %dma_wait3A_21 : memref<1x125xi32, #tpu.memory_space<vmem>> -> memref<125xi32, #tpu.memory_space<vmem>>
      %dma_wait3A_23 = arith.constant 0 : i32
      %dma_wait3A_24 = arith.constant 0 : i32
      %dma_wait3A_25 = tpu.memref_slice %arg2[%dma_wait3A_23, %dma_wait3A_24] : memref<20000x128xf32, #tpu.memory_space<hbm>> -> memref<20000x128xf32, #tpu.memory_space<hbm>>
      tpu.wait_indirect_dma semaphore(%arg11 : memref<!tpu.dma_semaphore, #tpu.memory_space<semaphore_mem>>) src(%dma_wait3A_25 : memref<20000x128xf32, #tpu.memory_space<hbm>>) dst(%arg9 : memref<125x128xf32, #tpu.memory_space<vmem>>)
      "tpu.region"() ({
        %run_scoped3A = tpu.sem_alloc : memref<!tpu.dma_semaphore, #tpu.memory_space<semaphore_mem>>
        %dma_start3A_26 = arith.constant 0 : i32
        %dma_start3A_27 = tpu.memref_slice %arg8[%scan3A_15, %dma_start3A_26] : memref<80x125xi32, #tpu.memory_space<vmem>> -> memref<1x125xi32, #tpu.memory_space<vmem>>
        %dma_start3A_28 = tpu.memref_squeeze %dma_start3A_27 : memref<1x125xi32, #tpu.memory_space<vmem>> -> memref<125xi32, #tpu.memory_space<vmem>>
        %dma_start3A_29 = arith.constant 0 : i32
        %dma_start3A_30 = arith.constant 0 : i32
        %dma_start3A_31 = tpu.memref_slice %arg10[%dma_start3A_29, %dma_start3A_30] : memref<10240x128xf32, #tpu.memory_space<vmem_shared>> -> memref<10240x128xf32, #tpu.memory_space<vmem_shared>>
        tpu.enqueue_indirect_dma source(%arg9 : memref<125x128xf32, #tpu.memory_space<vmem>>) target(%dma_start3A_31 : memref<10240x128xf32, #tpu.memory_space<vmem_shared>>) offsets(%dma_start3A_28 : memref<125xi32, #tpu.memory_space<vmem>>) semaphore(%run_scoped3A : memref<!tpu.dma_semaphore, #tpu.memory_space<semaphore_mem>>) {add = true}
        %dma_wait3A_32 = arith.constant 0 : i32
        %dma_wait3A_33 = tpu.memref_slice %arg8[%scan3A_15, %dma_wait3A_32] : memref<80x125xi32, #tpu.memory_space<vmem>> -> memref<1x125xi32, #tpu.memory_space<vmem>>
        %dma_wait3A_34 = tpu.memref_squeeze %dma_wait3A_33 : memref<1x125xi32, #tpu.memory_space<vmem>> -> memref<125xi32, #tpu.memory_space<vmem>>
        %dma_wait3A_35 = arith.constant 0 : i32
        %dma_wait3A_36 = arith.constant 0 : i32
        %dma_wait3A_37 = tpu.memref_slice %arg10[%dma_wait3A_35, %dma_wait3A_36] : memref<10240x128xf32, #tpu.memory_space<vmem_shared>> -> memref<10240x128xf32, #tpu.memory_space<vmem_shared>>
        tpu.wait_indirect_dma semaphore(%run_scoped3A : memref<!tpu.dma_semaphore, #tpu.memory_space<semaphore_mem>>) src(%arg9 : memref<125x128xf32, #tpu.memory_space<vmem>>) dst(%dma_wait3A_37 : memref<10240x128xf32, #tpu.memory_space<vmem_shared>>)
        tpu.yield
      }) : () -> ()
    }
    %scan3A_7 = arith.constant 80 : i32
    %barrier3A_8 = arith.constant 0 : index
    tpu.barrier barrier_id(%barrier3A_8)
    %mul3A_9 = arith.constant 640 : i32
    %mul3A_10 = arith.muli %arg1, %mul3A_9 : i32
    %mul3A_11 = arith.constant 10240 : i32
    %mul3A_12 = arith.muli %arg0, %mul3A_11 : i32
    %mul3A_13 = arith.constant 640 : i32
    %mul3A_14 = arith.muli %arg1, %mul3A_13 : i32
    %add3A = arith.addi %mul3A_12, %mul3A_14 : i32
    "tpu.region"() ({
      %run_scoped3A = tpu.sem_alloc : memref<!tpu.dma_semaphore, #tpu.memory_space<semaphore_mem>>
      %dma_start3A = arith.constant 0 : i32
      %dma_start3A_15 = tpu.memref_slice %arg6[%add3A, %dma_start3A] : memref<20480x128xf32, #tpu.memory_space<hbm>> -> memref<640x128xf32, #tpu.memory_space<hbm>>
      %dma_start3A_16 = arith.constant 0 : i32
      %dma_start3A_17 = tpu.memref_slice %arg10[%mul3A_10, %dma_start3A_16] : memref<10240x128xf32, #tpu.memory_space<vmem_shared>> -> memref<640x128xf32, #tpu.memory_space<vmem_shared>>
      tpu.enqueue_dma source(%dma_start3A_17 : memref<640x128xf32, #tpu.memory_space<vmem_shared>>) target(%dma_start3A_15 : memref<640x128xf32, #tpu.memory_space<hbm>>) target_semaphore(%run_scoped3A : memref<!tpu.dma_semaphore, #tpu.memory_space<semaphore_mem>>)
      %dma_wait3A = arith.constant 0 : i32
      %dma_wait3A_18 = tpu.memref_slice %arg6[%add3A, %dma_wait3A] : memref<20480x128xf32, #tpu.memory_space<hbm>> -> memref<640x128xf32, #tpu.memory_space<hbm>>
      %dma_wait3A_19 = arith.constant 0 : i32
      %dma_wait3A_20 = tpu.memref_slice %arg10[%mul3A_10, %dma_wait3A_19] : memref<10240x128xf32, #tpu.memory_space<vmem_shared>> -> memref<640x128xf32, #tpu.memory_space<vmem_shared>>
      tpu.wait_dma2 semaphore(%run_scoped3A : memref<!tpu.dma_semaphore, #tpu.memory_space<semaphore_mem>>) src(%dma_wait3A_20 : memref<640x128xf32, #tpu.memory_space<vmem_shared>>) dst(%dma_wait3A_18 : memref<640x128xf32, #tpu.memory_space<hbm>>)
      tpu.yield
    }) : () -> ()
    return
  }
}

#map = affine_map<(d0, d1) -> (0, 0)>
#map1 = affine_map<(d0, d1) -> (0, 0, 0, 0)>
#map2 = affine_map<(d0, d1) -> (0, 0, 0)>
module attributes {stable_mosaic.version = 14 : i64} {
  func.func @k(%arg0: i32, %arg1: i32, %arg2: memref<20000x128xf32, #tpu.memory_space<hbm>>, %arg3: memref<2x16x80x125xi32, #tpu.memory_space<hbm>>, %arg4: memref<16x80x125xi32, #tpu.memory_space<hbm>>, %arg5: memref<10240x128xf32, #tpu.memory_space<hbm>>, %arg6: memref<20480x128xf32, #tpu.memory_space<hbm>>, %arg7: memref<80x125xi32, #tpu.memory_space<vmem>>, %arg8: memref<80x125xi32, #tpu.memory_space<vmem>>, %arg9: memref<125x128xf32, #tpu.memory_space<vmem>>, %arg10: memref<10240x128xf32, #tpu.memory_space<vmem_shared>>, %arg11: memref<!tpu.dma_semaphore, #tpu.memory_space<semaphore_mem>>) attributes {dimension_semantics = [#tpu.dimension_semantics<core_parallel>, #tpu.dimension_semantics<subcore_parallel>], iteration_bounds = array<i64: 2, 16>, scalar_prefetch = 0 : i64, scratch_operands = 5 : i64, tpu.core_type = #tpu.core_type<sc_vector_subcore>, window_params = [{transform_indices = #map}, {transform_indices = #map1}, {transform_indices = #map2}, {transform_indices = #map}, {transform_indices = #map}]} {
    "tpu.region"() ({
      %run_scoped3A = tpu.sem_alloc : memref<!tpu.dma_semaphore, #tpu.memory_space<semaphore_mem>>
      %dma_start3A = arith.constant 0 : i32
      %dma_start3A_15 = arith.constant 0 : i32
      %dma_start3A_16 = tpu.memref_slice %arg3[%arg0, %arg1, %dma_start3A, %dma_start3A_15] : memref<2x16x80x125xi32, #tpu.memory_space<hbm>> -> memref<1x1x80x125xi32, #tpu.memory_space<hbm>>
      %dma_start3A_17 = tpu.memref_squeeze %dma_start3A_16 : memref<1x1x80x125xi32, #tpu.memory_space<hbm>> -> memref<80x125xi32, #tpu.memory_space<hbm>>
      %dma_start3A_18 = arith.constant 0 : i32
      %dma_start3A_19 = arith.constant 0 : i32
      %dma_start3A_20 = tpu.memref_slice %arg3[%arg0, %arg1, %dma_start3A_18, %dma_start3A_19] : memref<2x16x80x125xi32, #tpu.memory_space<hbm>> -> memref<1x1x80x125xi32, #tpu.memory_space<hbm>>
      %dma_start3A_21 = tpu.memref_squeeze %dma_start3A_20 : memref<1x1x80x125xi32, #tpu.memory_space<hbm>> -> memref<80x125xi32, #tpu.memory_space<hbm>>
      tpu.enqueue_dma source(%dma_start3A_21 : memref<80x125xi32, #tpu.memory_space<hbm>>) target(%arg7 : memref<80x125xi32, #tpu.memory_space<vmem>>) target_semaphore(%run_scoped3A : memref<!tpu.dma_semaphore, #tpu.memory_space<semaphore_mem>>)
      %dma_wait3A = arith.constant 0 : i32
      %dma_wait3A_22 = arith.constant 0 : i32
      %dma_wait3A_23 = tpu.memref_slice %arg3[%arg0, %arg1, %dma_wait3A, %dma_wait3A_22] : memref<2x16x80x125xi32, #tpu.memory_space<hbm>> -> memref<1x1x80x125xi32, #tpu.memory_space<hbm>>
      %dma_wait3A_24 = tpu.memref_squeeze %dma_wait3A_23 : memref<1x1x80x125xi32, #tpu.memory_space<hbm>> -> memref<80x125xi32, #tpu.memory_space<hbm>>
      %dma_wait3A_25 = arith.constant 0 : i32
      %dma_wait3A_26 = arith.constant 0 : i32
      %dma_wait3A_27 = tpu.memref_slice %arg3[%arg0, %arg1, %dma_wait3A_25, %dma_wait3A_26] : memref<2x16x80x125xi32, #tpu.memory_space<hbm>> -> memref<1x1x80x125xi32, #tpu.memory_space<hbm>>
      %dma_wait3A_28 = tpu.memref_squeeze %dma_wait3A_27 : memref<1x1x80x125xi32, #tpu.memory_space<hbm>> -> memref<80x125xi32, #tpu.memory_space<hbm>>
      tpu.wait_dma2 semaphore(%run_scoped3A : memref<!tpu.dma_semaphore, #tpu.memory_space<semaphore_mem>>) src(%dma_wait3A_28 : memref<80x125xi32, #tpu.memory_space<hbm>>) dst(%arg7 : memref<80x125xi32, #tpu.memory_space<vmem>>)
      tpu.yield
    }) : () -> ()
    "tpu.region"() ({
      %run_scoped3A = tpu.sem_alloc : memref<!tpu.dma_semaphore, #tpu.memory_space<semaphore_mem>>
      %dma_start3A = arith.constant 0 : i32
      %dma_start3A_15 = arith.constant 0 : i32
      %dma_start3A_16 = tpu.memref_slice %arg4[%arg1, %dma_start3A, %dma_start3A_15] : memref<16x80x125xi32, #tpu.memory_space<hbm>> -> memref<1x80x125xi32, #tpu.memory_space<hbm>>
      %dma_start3A_17 = tpu.memref_squeeze %dma_start3A_16 : memref<1x80x125xi32, #tpu.memory_space<hbm>> -> memref<80x125xi32, #tpu.memory_space<hbm>>
      %dma_start3A_18 = arith.constant 0 : i32
      %dma_start3A_19 = arith.constant 0 : i32
      %dma_start3A_20 = tpu.memref_slice %arg4[%arg1, %dma_start3A_18, %dma_start3A_19] : memref<16x80x125xi32, #tpu.memory_space<hbm>> -> memref<1x80x125xi32, #tpu.memory_space<hbm>>
      %dma_start3A_21 = tpu.memref_squeeze %dma_start3A_20 : memref<1x80x125xi32, #tpu.memory_space<hbm>> -> memref<80x125xi32, #tpu.memory_space<hbm>>
      tpu.enqueue_dma source(%dma_start3A_21 : memref<80x125xi32, #tpu.memory_space<hbm>>) target(%arg8 : memref<80x125xi32, #tpu.memory_space<vmem>>) target_semaphore(%run_scoped3A : memref<!tpu.dma_semaphore, #tpu.memory_space<semaphore_mem>>)
      %dma_wait3A = arith.constant 0 : i32
      %dma_wait3A_22 = arith.constant 0 : i32
      %dma_wait3A_23 = tpu.memref_slice %arg4[%arg1, %dma_wait3A, %dma_wait3A_22] : memref<16x80x125xi32, #tpu.memory_space<hbm>> -> memref<1x80x125xi32, #tpu.memory_space<hbm>>
      %dma_wait3A_24 = tpu.memref_squeeze %dma_wait3A_23 : memref<1x80x125xi32, #tpu.memory_space<hbm>> -> memref<80x125xi32, #tpu.memory_space<hbm>>
      %dma_wait3A_25 = arith.constant 0 : i32
      %dma_wait3A_26 = arith.constant 0 : i32
      %dma_wait3A_27 = tpu.memref_slice %arg4[%arg1, %dma_wait3A_25, %dma_wait3A_26] : memref<16x80x125xi32, #tpu.memory_space<hbm>> -> memref<1x80x125xi32, #tpu.memory_space<hbm>>
      %dma_wait3A_28 = tpu.memref_squeeze %dma_wait3A_27 : memref<1x80x125xi32, #tpu.memory_space<hbm>> -> memref<80x125xi32, #tpu.memory_space<hbm>>
      tpu.wait_dma2 semaphore(%run_scoped3A : memref<!tpu.dma_semaphore, #tpu.memory_space<semaphore_mem>>) src(%dma_wait3A_28 : memref<80x125xi32, #tpu.memory_space<hbm>>) dst(%arg8 : memref<80x125xi32, #tpu.memory_space<vmem>>)
      tpu.yield
    }) : () -> ()
    %mul3A = arith.constant 640 : i32
    %mul3A_0 = arith.muli %arg1, %mul3A : i32
    %mul3A_1 = arith.constant 640 : i32
    %mul3A_2 = arith.muli %arg1, %mul3A_1 : i32
    "tpu.region"() ({
      %run_scoped3A = tpu.sem_alloc : memref<!tpu.dma_semaphore, #tpu.memory_space<semaphore_mem>>
      %dma_start3A = arith.constant 0 : i32
      %dma_start3A_15 = tpu.memref_slice %arg10[%mul3A_2, %dma_start3A] : memref<10240x128xf32, #tpu.memory_space<vmem_shared>> -> memref<640x128xf32, #tpu.memory_space<vmem_shared>>
      %dma_start3A_16 = arith.constant 0 : i32
      %dma_start3A_17 = tpu.memref_slice %arg5[%mul3A_0, %dma_start3A_16] : memref<10240x128xf32, #tpu.memory_space<hbm>> -> memref<640x128xf32, #tpu.memory_space<hbm>>
      tpu.enqueue_dma source(%dma_start3A_17 : memref<640x128xf32, #tpu.memory_space<hbm>>) target(%dma_start3A_15 : memref<640x128xf32, #tpu.memory_space<vmem_shared>>) target_semaphore(%run_scoped3A : memref<!tpu.dma_semaphore, #tpu.memory_space<semaphore_mem>>)
      %dma_wait3A = arith.constant 0 : i32
      %dma_wait3A_18 = tpu.memref_slice %arg10[%mul3A_2, %dma_wait3A] : memref<10240x128xf32, #tpu.memory_space<vmem_shared>> -> memref<640x128xf32, #tpu.memory_space<vmem_shared>>
      %dma_wait3A_19 = arith.constant 0 : i32
      %dma_wait3A_20 = tpu.memref_slice %arg5[%mul3A_0, %dma_wait3A_19] : memref<10240x128xf32, #tpu.memory_space<hbm>> -> memref<640x128xf32, #tpu.memory_space<hbm>>
      tpu.wait_dma2 semaphore(%run_scoped3A : memref<!tpu.dma_semaphore, #tpu.memory_space<semaphore_mem>>) src(%dma_wait3A_20 : memref<640x128xf32, #tpu.memory_space<hbm>>) dst(%dma_wait3A_18 : memref<640x128xf32, #tpu.memory_space<vmem_shared>>)
      tpu.yield
    }) : () -> ()
    %barrier3A = arith.constant 0 : index
    tpu.barrier barrier_id(%barrier3A)
    %scan3A = arith.constant 0 : i32
    %scan3A_3 = arith.constant 0 : i32
    %scan3A_4 = arith.constant 80 : i32
    %scan3A_5 = arith.addi %scan3A_3, %scan3A_4 : i32
    %scan3A_6 = arith.constant 1 : i32
    scf.for %scan3A_15 = %scan3A_3 to %scan3A_5 step %scan3A_6  : i32 {
      %dma_start3A = arith.constant 0 : i32
      %dma_start3A_16 = tpu.memref_slice %arg7[%scan3A_15, %dma_start3A] : memref<80x125xi32, #tpu.memory_space<vmem>> -> memref<1x125xi32, #tpu.memory_space<vmem>>
      %dma_start3A_17 = tpu.memref_squeeze %dma_start3A_16 : memref<1x125xi32, #tpu.memory_space<vmem>> -> memref<125xi32, #tpu.memory_space<vmem>>
      %dma_start3A_18 = arith.constant 0 : i32
      %dma_start3A_19 = arith.constant 0 : i32
      %dma_start3A_20 = tpu.memref_slice %arg2[%dma_start3A_18, %dma_start3A_19] : memref<20000x128xf32, #tpu.memory_space<hbm>> -> memref<20000x128xf32, #tpu.memory_space<hbm>>
      tpu.enqueue_indirect_dma source(%dma_start3A_20 : memref<20000x128xf32, #tpu.memory_space<hbm>>) target(%arg9 : memref<125x128xf32, #tpu.memory_space<vmem>>) offsets(%dma_start3A_17 : memref<125xi32, #tpu.memory_space<vmem>>) semaphore(%arg11 : memref<!tpu.dma_semaphore, #tpu.memory_space<semaphore_mem>>)
      %dma_wait3A = arith.constant 0 : i32
      %dma_wait3A_21 = tpu.memref_slice %arg7[%scan3A_15, %dma_wait3A] : memref<80x125xi32, #tpu.memory_space<vmem>> -> memref<1x125xi32, #tpu.memory_space<vmem>>
      %dma_wait3A_22 = tpu.memref_squeeze %dma_wait3A_21 : memref<1x125xi32, #tpu.memory_space<vmem>> -> memref<125xi32, #tpu.memory_space<vmem>>
      %dma_wait3A_23 = arith.constant 0 : i32
      %dma_wait3A_24 = arith.constant 0 : i32
      %dma_wait3A_25 = tpu.memref_slice %arg2[%dma_wait3A_23, %dma_wait3A_24] : memref<20000x128xf32, #tpu.memory_space<hbm>> -> memref<20000x128xf32, #tpu.memory_space<hbm>>
      tpu.wait_indirect_dma semaphore(%arg11 : memref<!tpu.dma_semaphore, #tpu.memory_space<semaphore_mem>>) src(%dma_wait3A_25 : memref<20000x128xf32, #tpu.memory_space<hbm>>) dst(%arg9 : memref<125x128xf32, #tpu.memory_space<vmem>>)
      "tpu.region"() ({
        %run_scoped3A = tpu.sem_alloc : memref<!tpu.dma_semaphore, #tpu.memory_space<semaphore_mem>>
        %dma_start3A_26 = arith.constant 0 : i32
        %dma_start3A_27 = tpu.memref_slice %arg8[%scan3A_15, %dma_start3A_26] : memref<80x125xi32, #tpu.memory_space<vmem>> -> memref<1x125xi32, #tpu.memory_space<vmem>>
        %dma_start3A_28 = tpu.memref_squeeze %dma_start3A_27 : memref<1x125xi32, #tpu.memory_space<vmem>> -> memref<125xi32, #tpu.memory_space<vmem>>
        %dma_start3A_29 = arith.constant 0 : i32
        %dma_start3A_30 = arith.constant 0 : i32
        %dma_start3A_31 = tpu.memref_slice %arg10[%dma_start3A_29, %dma_start3A_30] : memref<10240x128xf32, #tpu.memory_space<vmem_shared>> -> memref<10240x128xf32, #tpu.memory_space<vmem_shared>>
        tpu.enqueue_indirect_dma source(%arg9 : memref<125x128xf32, #tpu.memory_space<vmem>>) target(%dma_start3A_31 : memref<10240x128xf32, #tpu.memory_space<vmem_shared>>) offsets(%dma_start3A_28 : memref<125xi32, #tpu.memory_space<vmem>>) semaphore(%run_scoped3A : memref<!tpu.dma_semaphore, #tpu.memory_space<semaphore_mem>>) {add = true}
        %dma_wait3A_32 = arith.constant 0 : i32
        %dma_wait3A_33 = tpu.memref_slice %arg8[%scan3A_15, %dma_wait3A_32] : memref<80x125xi32, #tpu.memory_space<vmem>> -> memref<1x125xi32, #tpu.memory_space<vmem>>
        %dma_wait3A_34 = tpu.memref_squeeze %dma_wait3A_33 : memref<1x125xi32, #tpu.memory_space<vmem>> -> memref<125xi32, #tpu.memory_space<vmem>>
        %dma_wait3A_35 = arith.constant 0 : i32
        %dma_wait3A_36 = arith.constant 0 : i32
        %dma_wait3A_37 = tpu.memref_slice %arg10[%dma_wait3A_35, %dma_wait3A_36] : memref<10240x128xf32, #tpu.memory_space<vmem_shared>> -> memref<10240x128xf32, #tpu.memory_space<vmem_shared>>
        tpu.wait_indirect_dma semaphore(%run_scoped3A : memref<!tpu.dma_semaphore, #tpu.memory_space<semaphore_mem>>) src(%arg9 : memref<125x128xf32, #tpu.memory_space<vmem>>) dst(%dma_wait3A_37 : memref<10240x128xf32, #tpu.memory_space<vmem_shared>>)
        tpu.yield
      }) : () -> ()
    }
    %scan3A_7 = arith.constant 80 : i32
    %barrier3A_8 = arith.constant 0 : index
    tpu.barrier barrier_id(%barrier3A_8)
    %mul3A_9 = arith.constant 640 : i32
    %mul3A_10 = arith.muli %arg1, %mul3A_9 : i32
    %mul3A_11 = arith.constant 10240 : i32
    %mul3A_12 = arith.muli %arg0, %mul3A_11 : i32
    %mul3A_13 = arith.constant 640 : i32
    %mul3A_14 = arith.muli %arg1, %mul3A_13 : i32
    %add3A = arith.addi %mul3A_12, %mul3A_14 : i32
    "tpu.region"() ({
      %run_scoped3A = tpu.sem_alloc : memref<!tpu.dma_semaphore, #tpu.memory_space<semaphore_mem>>
      %dma_start3A = arith.constant 0 : i32
      %dma_start3A_15 = tpu.memref_slice %arg6[%add3A, %dma_start3A] : memref<20480x128xf32, #tpu.memory_space<hbm>> -> memref<640x128xf32, #tpu.memory_space<hbm>>
      %dma_start3A_16 = arith.constant 0 : i32
      %dma_start3A_17 = tpu.memref_slice %arg10[%mul3A_10, %dma_start3A_16] : memref<10240x128xf32, #tpu.memory_space<vmem_shared>> -> memref<640x128xf32, #tpu.memory_space<vmem_shared>>
      tpu.enqueue_dma source(%dma_start3A_17 : memref<640x128xf32, #tpu.memory_space<vmem_shared>>) target(%dma_start3A_15 : memref<640x128xf32, #tpu.memory_space<hbm>>) target_semaphore(%run_scoped3A : memref<!tpu.dma_semaphore, #tpu.memory_space<semaphore_mem>>)
      %dma_wait3A = arith.constant 0 : i32
      %dma_wait3A_18 = tpu.memref_slice %arg6[%add3A, %dma_wait3A] : memref<20480x128xf32, #tpu.memory_space<hbm>> -> memref<640x128xf32, #tpu.memory_space<hbm>>
      %dma_wait3A_19 = arith.constant 0 : i32
      %dma_wait3A_20 = tpu.memref_slice %arg10[%mul3A_10, %dma_wait3A_19] : memref<10240x128xf32, #tpu.memory_space<vmem_shared>> -> memref<640x128xf32, #tpu.memory_space<vmem_shared>>
      tpu.wait_dma2 semaphore(%run_scoped3A : memref<!tpu.dma_semaphore, #tpu.memory_space<semaphore_mem>>) src(%dma_wait3A_20 : memref<640x128xf32, #tpu.memory_space<vmem_shared>>) dst(%dma_wait3A_18 : memref<640x128xf32, #tpu.memory_space<hbm>>)
      tpu.yield
    }) : () -> ()
    return
  }
}

#map = affine_map<(d0, d1) -> (0, 0)>
#map1 = affine_map<(d0, d1) -> (0, 0, 0, 0)>
#map2 = affine_map<(d0, d1) -> (0, 0, 0)>
module attributes {stable_mosaic.version = 14 : i64} {
  func.func @k(%arg0: i32, %arg1: i32, %arg2: memref<20000x128xf32, #tpu.memory_space<hbm>>, %arg3: memref<2x16x80x125xi32, #tpu.memory_space<hbm>>, %arg4: memref<16x80x125xi32, #tpu.memory_space<hbm>>, %arg5: memref<10240x128xf32, #tpu.memory_space<hbm>>, %arg6: memref<20480x128xf32, #tpu.memory_space<hbm>>, %arg7: memref<80x125xi32, #tpu.memory_space<vmem>>, %arg8: memref<80x125xi32, #tpu.memory_space<vmem>>, %arg9: memref<125x128xf32, #tpu.memory_space<vmem>>, %arg10: memref<10240x128xf32, #tpu.memory_space<vmem_shared>>, %arg11: memref<!tpu.dma_semaphore, #tpu.memory_space<semaphore_mem>>) attributes {dimension_semantics = [#tpu.dimension_semantics<core_parallel>, #tpu.dimension_semantics<subcore_parallel>], iteration_bounds = array<i64: 2, 16>, scalar_prefetch = 0 : i64, scratch_operands = 5 : i64, tpu.core_type = #tpu.core_type<sc_vector_subcore>, window_params = [{transform_indices = #map}, {transform_indices = #map1}, {transform_indices = #map2}, {transform_indices = #map}, {transform_indices = #map}]} {
    "tpu.region"() ({
      %run_scoped3A = tpu.sem_alloc : memref<!tpu.dma_semaphore, #tpu.memory_space<semaphore_mem>>
      %dma_start3A = arith.constant 0 : i32
      %dma_start3A_15 = arith.constant 0 : i32
      %dma_start3A_16 = tpu.memref_slice %arg3[%arg0, %arg1, %dma_start3A, %dma_start3A_15] : memref<2x16x80x125xi32, #tpu.memory_space<hbm>> -> memref<1x1x80x125xi32, #tpu.memory_space<hbm>>
      %dma_start3A_17 = tpu.memref_squeeze %dma_start3A_16 : memref<1x1x80x125xi32, #tpu.memory_space<hbm>> -> memref<80x125xi32, #tpu.memory_space<hbm>>
      %dma_start3A_18 = arith.constant 0 : i32
      %dma_start3A_19 = arith.constant 0 : i32
      %dma_start3A_20 = tpu.memref_slice %arg3[%arg0, %arg1, %dma_start3A_18, %dma_start3A_19] : memref<2x16x80x125xi32, #tpu.memory_space<hbm>> -> memref<1x1x80x125xi32, #tpu.memory_space<hbm>>
      %dma_start3A_21 = tpu.memref_squeeze %dma_start3A_20 : memref<1x1x80x125xi32, #tpu.memory_space<hbm>> -> memref<80x125xi32, #tpu.memory_space<hbm>>
      tpu.enqueue_dma source(%dma_start3A_21 : memref<80x125xi32, #tpu.memory_space<hbm>>) target(%arg7 : memref<80x125xi32, #tpu.memory_space<vmem>>) target_semaphore(%run_scoped3A : memref<!tpu.dma_semaphore, #tpu.memory_space<semaphore_mem>>)
      %dma_wait3A = arith.constant 0 : i32
      %dma_wait3A_22 = arith.constant 0 : i32
      %dma_wait3A_23 = tpu.memref_slice %arg3[%arg0, %arg1, %dma_wait3A, %dma_wait3A_22] : memref<2x16x80x125xi32, #tpu.memory_space<hbm>> -> memref<1x1x80x125xi32, #tpu.memory_space<hbm>>
      %dma_wait3A_24 = tpu.memref_squeeze %dma_wait3A_23 : memref<1x1x80x125xi32, #tpu.memory_space<hbm>> -> memref<80x125xi32, #tpu.memory_space<hbm>>
      %dma_wait3A_25 = arith.constant 0 : i32
      %dma_wait3A_26 = arith.constant 0 : i32
      %dma_wait3A_27 = tpu.memref_slice %arg3[%arg0, %arg1, %dma_wait3A_25, %dma_wait3A_26] : memref<2x16x80x125xi32, #tpu.memory_space<hbm>> -> memref<1x1x80x125xi32, #tpu.memory_space<hbm>>
      %dma_wait3A_28 = tpu.memref_squeeze %dma_wait3A_27 : memref<1x1x80x125xi32, #tpu.memory_space<hbm>> -> memref<80x125xi32, #tpu.memory_space<hbm>>
      tpu.wait_dma2 semaphore(%run_scoped3A : memref<!tpu.dma_semaphore, #tpu.memory_space<semaphore_mem>>) src(%dma_wait3A_28 : memref<80x125xi32, #tpu.memory_space<hbm>>) dst(%arg7 : memref<80x125xi32, #tpu.memory_space<vmem>>)
      tpu.yield
    }) : () -> ()
    "tpu.region"() ({
      %run_scoped3A = tpu.sem_alloc : memref<!tpu.dma_semaphore, #tpu.memory_space<semaphore_mem>>
      %dma_start3A = arith.constant 0 : i32
      %dma_start3A_15 = arith.constant 0 : i32
      %dma_start3A_16 = tpu.memref_slice %arg4[%arg1, %dma_start3A, %dma_start3A_15] : memref<16x80x125xi32, #tpu.memory_space<hbm>> -> memref<1x80x125xi32, #tpu.memory_space<hbm>>
      %dma_start3A_17 = tpu.memref_squeeze %dma_start3A_16 : memref<1x80x125xi32, #tpu.memory_space<hbm>> -> memref<80x125xi32, #tpu.memory_space<hbm>>
      %dma_start3A_18 = arith.constant 0 : i32
      %dma_start3A_19 = arith.constant 0 : i32
      %dma_start3A_20 = tpu.memref_slice %arg4[%arg1, %dma_start3A_18, %dma_start3A_19] : memref<16x80x125xi32, #tpu.memory_space<hbm>> -> memref<1x80x125xi32, #tpu.memory_space<hbm>>
      %dma_start3A_21 = tpu.memref_squeeze %dma_start3A_20 : memref<1x80x125xi32, #tpu.memory_space<hbm>> -> memref<80x125xi32, #tpu.memory_space<hbm>>
      tpu.enqueue_dma source(%dma_start3A_21 : memref<80x125xi32, #tpu.memory_space<hbm>>) target(%arg8 : memref<80x125xi32, #tpu.memory_space<vmem>>) target_semaphore(%run_scoped3A : memref<!tpu.dma_semaphore, #tpu.memory_space<semaphore_mem>>)
      %dma_wait3A = arith.constant 0 : i32
      %dma_wait3A_22 = arith.constant 0 : i32
      %dma_wait3A_23 = tpu.memref_slice %arg4[%arg1, %dma_wait3A, %dma_wait3A_22] : memref<16x80x125xi32, #tpu.memory_space<hbm>> -> memref<1x80x125xi32, #tpu.memory_space<hbm>>
      %dma_wait3A_24 = tpu.memref_squeeze %dma_wait3A_23 : memref<1x80x125xi32, #tpu.memory_space<hbm>> -> memref<80x125xi32, #tpu.memory_space<hbm>>
      %dma_wait3A_25 = arith.constant 0 : i32
      %dma_wait3A_26 = arith.constant 0 : i32
      %dma_wait3A_27 = tpu.memref_slice %arg4[%arg1, %dma_wait3A_25, %dma_wait3A_26] : memref<16x80x125xi32, #tpu.memory_space<hbm>> -> memref<1x80x125xi32, #tpu.memory_space<hbm>>
      %dma_wait3A_28 = tpu.memref_squeeze %dma_wait3A_27 : memref<1x80x125xi32, #tpu.memory_space<hbm>> -> memref<80x125xi32, #tpu.memory_space<hbm>>
      tpu.wait_dma2 semaphore(%run_scoped3A : memref<!tpu.dma_semaphore, #tpu.memory_space<semaphore_mem>>) src(%dma_wait3A_28 : memref<80x125xi32, #tpu.memory_space<hbm>>) dst(%arg8 : memref<80x125xi32, #tpu.memory_space<vmem>>)
      tpu.yield
    }) : () -> ()
    %mul3A = arith.constant 640 : i32
    %mul3A_0 = arith.muli %arg1, %mul3A : i32
    %mul3A_1 = arith.constant 640 : i32
    %mul3A_2 = arith.muli %arg1, %mul3A_1 : i32
    "tpu.region"() ({
      %run_scoped3A = tpu.sem_alloc : memref<!tpu.dma_semaphore, #tpu.memory_space<semaphore_mem>>
      %dma_start3A = arith.constant 0 : i32
      %dma_start3A_15 = tpu.memref_slice %arg10[%mul3A_2, %dma_start3A] : memref<10240x128xf32, #tpu.memory_space<vmem_shared>> -> memref<640x128xf32, #tpu.memory_space<vmem_shared>>
      %dma_start3A_16 = arith.constant 0 : i32
      %dma_start3A_17 = tpu.memref_slice %arg5[%mul3A_0, %dma_start3A_16] : memref<10240x128xf32, #tpu.memory_space<hbm>> -> memref<640x128xf32, #tpu.memory_space<hbm>>
      tpu.enqueue_dma source(%dma_start3A_17 : memref<640x128xf32, #tpu.memory_space<hbm>>) target(%dma_start3A_15 : memref<640x128xf32, #tpu.memory_space<vmem_shared>>) target_semaphore(%run_scoped3A : memref<!tpu.dma_semaphore, #tpu.memory_space<semaphore_mem>>)
      %dma_wait3A = arith.constant 0 : i32
      %dma_wait3A_18 = tpu.memref_slice %arg10[%mul3A_2, %dma_wait3A] : memref<10240x128xf32, #tpu.memory_space<vmem_shared>> -> memref<640x128xf32, #tpu.memory_space<vmem_shared>>
      %dma_wait3A_19 = arith.constant 0 : i32
      %dma_wait3A_20 = tpu.memref_slice %arg5[%mul3A_0, %dma_wait3A_19] : memref<10240x128xf32, #tpu.memory_space<hbm>> -> memref<640x128xf32, #tpu.memory_space<hbm>>
      tpu.wait_dma2 semaphore(%run_scoped3A : memref<!tpu.dma_semaphore, #tpu.memory_space<semaphore_mem>>) src(%dma_wait3A_20 : memref<640x128xf32, #tpu.memory_space<hbm>>) dst(%dma_wait3A_18 : memref<640x128xf32, #tpu.memory_space<vmem_shared>>)
      tpu.yield
    }) : () -> ()
    %barrier3A = arith.constant 0 : index
    tpu.barrier barrier_id(%barrier3A)
    %scan3A = arith.constant 0 : i32
    %scan3A_3 = arith.constant 0 : i32
    %scan3A_4 = arith.constant 80 : i32
    %scan3A_5 = arith.addi %scan3A_3, %scan3A_4 : i32
    %scan3A_6 = arith.constant 1 : i32
    scf.for %scan3A_15 = %scan3A_3 to %scan3A_5 step %scan3A_6  : i32 {
      %dma_start3A = arith.constant 0 : i32
      %dma_start3A_16 = tpu.memref_slice %arg7[%scan3A_15, %dma_start3A] : memref<80x125xi32, #tpu.memory_space<vmem>> -> memref<1x125xi32, #tpu.memory_space<vmem>>
      %dma_start3A_17 = tpu.memref_squeeze %dma_start3A_16 : memref<1x125xi32, #tpu.memory_space<vmem>> -> memref<125xi32, #tpu.memory_space<vmem>>
      %dma_start3A_18 = arith.constant 0 : i32
      %dma_start3A_19 = arith.constant 0 : i32
      %dma_start3A_20 = tpu.memref_slice %arg2[%dma_start3A_18, %dma_start3A_19] : memref<20000x128xf32, #tpu.memory_space<hbm>> -> memref<20000x128xf32, #tpu.memory_space<hbm>>
      tpu.enqueue_indirect_dma source(%dma_start3A_20 : memref<20000x128xf32, #tpu.memory_space<hbm>>) target(%arg9 : memref<125x128xf32, #tpu.memory_space<vmem>>) offsets(%dma_start3A_17 : memref<125xi32, #tpu.memory_space<vmem>>) semaphore(%arg11 : memref<!tpu.dma_semaphore, #tpu.memory_space<semaphore_mem>>)
      %dma_wait3A = arith.constant 0 : i32
      %dma_wait3A_21 = tpu.memref_slice %arg7[%scan3A_15, %dma_wait3A] : memref<80x125xi32, #tpu.memory_space<vmem>> -> memref<1x125xi32, #tpu.memory_space<vmem>>
      %dma_wait3A_22 = tpu.memref_squeeze %dma_wait3A_21 : memref<1x125xi32, #tpu.memory_space<vmem>> -> memref<125xi32, #tpu.memory_space<vmem>>
      %dma_wait3A_23 = arith.constant 0 : i32
      %dma_wait3A_24 = arith.constant 0 : i32
      %dma_wait3A_25 = tpu.memref_slice %arg2[%dma_wait3A_23, %dma_wait3A_24] : memref<20000x128xf32, #tpu.memory_space<hbm>> -> memref<20000x128xf32, #tpu.memory_space<hbm>>
      tpu.wait_indirect_dma semaphore(%arg11 : memref<!tpu.dma_semaphore, #tpu.memory_space<semaphore_mem>>) src(%dma_wait3A_25 : memref<20000x128xf32, #tpu.memory_space<hbm>>) dst(%arg9 : memref<125x128xf32, #tpu.memory_space<vmem>>)
      "tpu.region"() ({
        %run_scoped3A = tpu.sem_alloc : memref<!tpu.dma_semaphore, #tpu.memory_space<semaphore_mem>>
        %dma_start3A_26 = arith.constant 0 : i32
        %dma_start3A_27 = tpu.memref_slice %arg8[%scan3A_15, %dma_start3A_26] : memref<80x125xi32, #tpu.memory_space<vmem>> -> memref<1x125xi32, #tpu.memory_space<vmem>>
        %dma_start3A_28 = tpu.memref_squeeze %dma_start3A_27 : memref<1x125xi32, #tpu.memory_space<vmem>> -> memref<125xi32, #tpu.memory_space<vmem>>
        %dma_start3A_29 = arith.constant 0 : i32
        %dma_start3A_30 = arith.constant 0 : i32
        %dma_start3A_31 = tpu.memref_slice %arg10[%dma_start3A_29, %dma_start3A_30] : memref<10240x128xf32, #tpu.memory_space<vmem_shared>> -> memref<10240x128xf32, #tpu.memory_space<vmem_shared>>
        tpu.enqueue_indirect_dma source(%arg9 : memref<125x128xf32, #tpu.memory_space<vmem>>) target(%dma_start3A_31 : memref<10240x128xf32, #tpu.memory_space<vmem_shared>>) offsets(%dma_start3A_28 : memref<125xi32, #tpu.memory_space<vmem>>) semaphore(%run_scoped3A : memref<!tpu.dma_semaphore, #tpu.memory_space<semaphore_mem>>) {add = true}
        %dma_wait3A_32 = arith.constant 0 : i32
        %dma_wait3A_33 = tpu.memref_slice %arg8[%scan3A_15, %dma_wait3A_32] : memref<80x125xi32, #tpu.memory_space<vmem>> -> memref<1x125xi32, #tpu.memory_space<vmem>>
        %dma_wait3A_34 = tpu.memref_squeeze %dma_wait3A_33 : memref<1x125xi32, #tpu.memory_space<vmem>> -> memref<125xi32, #tpu.memory_space<vmem>>
        %dma_wait3A_35 = arith.constant 0 : i32
        %dma_wait3A_36 = arith.constant 0 : i32
        %dma_wait3A_37 = tpu.memref_slice %arg10[%dma_wait3A_35, %dma_wait3A_36] : memref<10240x128xf32, #tpu.memory_space<vmem_shared>> -> memref<10240x128xf32, #tpu.memory_space<vmem_shared>>
        tpu.wait_indirect_dma semaphore(%run_scoped3A : memref<!tpu.dma_semaphore, #tpu.memory_space<semaphore_mem>>) src(%arg9 : memref<125x128xf32, #tpu.memory_space<vmem>>) dst(%dma_wait3A_37 : memref<10240x128xf32, #tpu.memory_space<vmem_shared>>)
        tpu.yield
      }) : () -> ()
    }
    %scan3A_7 = arith.constant 80 : i32
    %barrier3A_8 = arith.constant 0 : index
    tpu.barrier barrier_id(%barrier3A_8)
    %mul3A_9 = arith.constant 640 : i32
    %mul3A_10 = arith.muli %arg1, %mul3A_9 : i32
    %mul3A_11 = arith.constant 10240 : i32
    %mul3A_12 = arith.muli %arg0, %mul3A_11 : i32
    %mul3A_13 = arith.constant 640 : i32
    %mul3A_14 = arith.muli %arg1, %mul3A_13 : i32
    %add3A = arith.addi %mul3A_12, %mul3A_14 : i32
    "tpu.region"() ({
      %run_scoped3A = tpu.sem_alloc : memref<!tpu.dma_semaphore, #tpu.memory_space<semaphore_mem>>
      %dma_start3A = arith.constant 0 : i32
      %dma_start3A_15 = tpu.memref_slice %arg6[%add3A, %dma_start3A] : memref<20480x128xf32, #tpu.memory_space<hbm>> -> memref<640x128xf32, #tpu.memory_space<hbm>>
      %dma_start3A_16 = arith.constant 0 : i32
      %dma_start3A_17 = tpu.memref_slice %arg10[%mul3A_10, %dma_start3A_16] : memref<10240x128xf32, #tpu.memory_space<vmem_shared>> -> memref<640x128xf32, #tpu.memory_space<vmem_shared>>
      tpu.enqueue_dma source(%dma_start3A_17 : memref<640x128xf32, #tpu.memory_space<vmem_shared>>) target(%dma_start3A_15 : memref<640x128xf32, #tpu.memory_space<hbm>>) target_semaphore(%run_scoped3A : memref<!tpu.dma_semaphore, #tpu.memory_space<semaphore_mem>>)
      %dma_wait3A = arith.constant 0 : i32
      %dma_wait3A_18 = tpu.memref_slice %arg6[%add3A, %dma_wait3A] : memref<20480x128xf32, #tpu.memory_space<hbm>> -> memref<640x128xf32, #tpu.memory_space<hbm>>
      %dma_wait3A_19 = arith.constant 0 : i32
      %dma_wait3A_20 = tpu.memref_slice %arg10[%mul3A_10, %dma_wait3A_19] : memref<10240x128xf32, #tpu.memory_space<vmem_shared>> -> memref<640x128xf32, #tpu.memory_space<vmem_shared>>
      tpu.wait_dma2 semaphore(%run_scoped3A : memref<!tpu.dma_semaphore, #tpu.memory_space<semaphore_mem>>) src(%dma_wait3A_20 : memref<640x128xf32, #tpu.memory_space<vmem_shared>>) dst(%dma_wait3A_18 : memref<640x128xf32, #tpu.memory_space<hbm>>)
      tpu.yield
    }) : () -> ()
    return
  }
}

module attributes {stable_mosaic.version = 14 : i64} {
  func.func @body(%arg0: i32, %arg1: memref<1000x256xf32, #tpu.memory_space<vmem>>, %arg2: memref<256x256xf32, #tpu.memory_space<vmem>>, %arg3: memref<2x1000x128xf32, #tpu.memory_space<vmem>>) attributes {dimension_semantics = [#tpu.dimension_semantics<arbitrary>], iteration_bounds = array<i64: 10>, scalar_prefetch = 0 : i64, scratch_operands = 0 : i64, tpu.core_type = #tpu.core_type<tc>, window_params = [{transform_indices = @transform_0, window_bounds = array<i64: 1000, 256>}, {pipeline_mode = #tpu.pipeline_mode<synchronous>, transform_indices = @transform_1, window_bounds = array<i64: 256, 256>}, {transform_indices = @transform_2, window_bounds = array<i64: 2, 1000, 128>}]} {
    %get3A = arith.constant 0 : index
    %get3A_0 = arith.constant 0 : index
    %get3A_1 = vector.load %arg1[%get3A, %get3A_0] : memref<1000x256xf32, #tpu.memory_space<vmem>>, vector<1000x256xf32>
    %get3A_2 = arith.constant 0 : index
    %get3A_3 = arith.constant 0 : index
    %get3A_4 = vector.load %arg2[%get3A_2, %get3A_3] : memref<256x256xf32, #tpu.memory_space<vmem>>, vector<256x256xf32>
    %dot_general3A = arith.constant dense<0.000000e+00> : vector<1000x256xf32>
    %dot_general3A_5 = tpu.matmul %get3A_1, %get3A_4, %dot_general3A {dimension_numbers = #tpu.dot_dimension_numbers<[1], [0], [0], [1], [0, 0, 1, 1], [], []>, transpose_lhs_hint = false} : vector<1000x256xf32>, vector<256x256xf32>, vector<1000x256xf32> -> vector<1000x256xf32>
    %slice3A = vector.extract_strided_slice %dot_general3A_5 {offsets = [0, 0], sizes = [1000, 128], strides = [1, 1]} : vector<1000x256xf32> to vector<1000x128xf32>
    %swap3A = arith.constant 0 : index
    %swap3A_6 = arith.constant 0 : index
    %swap3A_7 = arith.constant 0 : index
    %swap3A_8 = vector.load %arg3[%swap3A, %swap3A_6, %swap3A_7] : memref<2x1000x128xf32, #tpu.memory_space<vmem>>, vector<1x1000x128xf32>
    %swap3A_9 = vector.shape_cast %swap3A_8 : vector<1x1000x128xf32> to vector<1000x128xf32>
    %swap3A_10 = vector.shape_cast %slice3A : vector<1000x128xf32> to vector<1x1000x128xf32>
    tpu.vector_store %arg3[%swap3A, %swap3A_6, %swap3A_7], %swap3A_10 {strides = array<i32>} : memref<2x1000x128xf32, #tpu.memory_space<vmem>>, vector<1x1000x128xf32>,
    %slice3A_11 = vector.extract_strided_slice %dot_general3A_5 {offsets = [0, 128], sizes = [1000, 128], strides = [1, 1]} : vector<1000x256xf32> to vector<1000x128xf32>
    %swap3A_12 = arith.constant 1 : index
    %swap3A_13 = arith.constant 0 : index
    %swap3A_14 = arith.constant 0 : index
    %swap3A_15 = vector.load %arg3[%swap3A_12, %swap3A_13, %swap3A_14] : memref<2x1000x128xf32, #tpu.memory_space<vmem>>, vector<1x1000x128xf32>
    %swap3A_16 = vector.shape_cast %swap3A_15 : vector<1x1000x128xf32> to vector<1000x128xf32>
    %swap3A_17 = vector.shape_cast %slice3A_11 : vector<1000x128xf32> to vector<1x1000x128xf32>
    tpu.vector_store %arg3[%swap3A_12, %swap3A_13, %swap3A_14], %swap3A_17 {strides = array<i32>} : memref<2x1000x128xf32, #tpu.memory_space<vmem>>, vector<1x1000x128xf32>,
    return
  }
  func.func @transform_0(%arg0: i32) -> (i32, i32) {
    %c0_i32 = arith.constant 0 : i32
    %c0_i32_0 = arith.constant 0 : i32
    return %arg0, %c0_i32 : i32, i32
  }
  func.func @transform_1(%arg0: i32) -> (i32, i32) {
    %c0_i32 = arith.constant 0 : i32
    %c0_i32_0 = arith.constant 0 : i32
    %c0_i32_1 = arith.constant 0 : i32
    return %c0_i32, %c0_i32_0 : i32, i32
  }
  func.func @transform_2(%arg0: i32) -> (i32, i32, i32) {
    %c0_i32 = arith.constant 0 : i32
    %c0_i32_0 = arith.constant 0 : i32
    %c0_i32_1 = arith.constant 0 : i32
    return %c0_i32, %arg0, %c0_i32_0 : i32, i32, i32
  }
}

module attributes {stable_mosaic.version = 14 : i64} {
  func.func @body(%arg0: i32, %arg1: memref<2x1000x128xf32, #tpu.memory_space<vmem>>, %arg2: memref<1000x256xf32, #tpu.memory_space<vmem>>, %arg3: memref<768x256xf32, #tpu.memory_space<vmem>>, %arg4: memref<768x256xf32, #tpu.memory_space<vmem>>, %arg5: memref<1x768xf32, #tpu.memory_space<vmem>>, %arg6: memref<1x768xf32, #tpu.memory_space<vmem>>, %arg7: memref<256x256xf32, #tpu.memory_space<vmem>>, %arg8: memref<1000x256xf32, #tpu.memory_space<vmem>>, %arg9: memref<2x1000x128xf32, #tpu.memory_space<vmem>>) attributes {dimension_semantics = [#tpu.dimension_semantics<arbitrary>], iteration_bounds = array<i64: 10>, scalar_prefetch = 0 : i64, scratch_operands = 0 : i64, tpu.core_type = #tpu.core_type<tc>, window_params = [{transform_indices = @transform_0, window_bounds = array<i64: 2, 1000, 128>}, {transform_indices = @transform_1, window_bounds = array<i64: 1000, 256>}, {pipeline_mode = #tpu.pipeline_mode<synchronous>, transform_indices = @transform_2, window_bounds = array<i64: 768, 256>}, {pipeline_mode = #tpu.pipeline_mode<synchronous>, transform_indices = @transform_3, window_bounds = array<i64: 768, 256>}, {pipeline_mode = #tpu.pipeline_mode<synchronous>, transform_indices = @transform_4, window_bounds = array<i64: 1, 768>}, {pipeline_mode = #tpu.pipeline_mode<synchronous>, transform_indices = @transform_5, window_bounds = array<i64: 1, 768>}, {pipeline_mode = #tpu.pipeline_mode<synchronous>, transform_indices = @transform_6, window_bounds = array<i64: 256, 256>}, {transform_indices = @transform_7, window_bounds = array<i64: 1000, 256>}, {transform_indices = @transform_8, window_bounds = array<i64: 2, 1000, 128>}]} {
    %get3A = arith.constant 0 : index
    %get3A_0 = arith.constant 0 : index
    %get3A_1 = arith.constant 0 : index
    %get3A_2 = vector.load %arg1[%get3A, %get3A_0, %get3A_1] : memref<2x1000x128xf32, #tpu.memory_space<vmem>>, vector<1x1000x128xf32>
    %get3A_3 = vector.shape_cast %get3A_2 : vector<1x1000x128xf32> to vector<1000x128xf32>
    %get3A_4 = arith.constant 1 : index
    %get3A_5 = arith.constant 0 : index
    %get3A_6 = arith.constant 0 : index
    %get3A_7 = vector.load %arg1[%get3A_4, %get3A_5, %get3A_6] : memref<2x1000x128xf32, #tpu.memory_space<vmem>>, vector<1x1000x128xf32>
    %get3A_8 = vector.shape_cast %get3A_7 : vector<1x1000x128xf32> to vector<1000x128xf32>
    %concatenate3A = tpu.concatenate %get3A_3, %get3A_8 in 1 : vector<1000x128xf32>, vector<1000x128xf32> -> vector<1000x256xf32>
    %get3A_9 = arith.constant 0 : index
    %get3A_10 = arith.constant 0 : index
    %get3A_11 = vector.load %arg2[%get3A_9, %get3A_10] : memref<1000x256xf32, #tpu.memory_space<vmem>>, vector<1000x256xf32>
    %get3A_12 = arith.constant 0 : index
    %get3A_13 = arith.constant 0 : index
    %get3A_14 = vector.load %arg3[%get3A_12, %get3A_13] : memref<768x256xf32, #tpu.memory_space<vmem>>, vector<768x256xf32>
    %dot_general3A = arith.constant dense<0.000000e+00> : vector<1000x768xf32>
    %dot_general3A_15 = tpu.matmul %concatenate3A, %get3A_14, %dot_general3A {dimension_numbers = #tpu.dot_dimension_numbers<[1], [1], [0], [0], [0, 0, 1, 0], [], []>, transpose_lhs_hint = false} : vector<1000x256xf32>, vector<768x256xf32>, vector<1000x768xf32> -> vector<1000x768xf32>
    %get3A_16 = arith.constant 0 : index
    %get3A_17 = arith.constant 0 : index
    %get3A_18 = vector.load %arg5[%get3A_16, %get3A_17] : memref<1x768xf32, #tpu.memory_space<vmem>>, vector<1x768xf32>
    %add3A = vector.broadcast %get3A_18 : vector<1x768xf32> to vector<1000x768xf32>
    %add3A_19 = arith.addf %dot_general3A_15, %add3A : vector<1000x768xf32>
    %get3A_20 = arith.constant 0 : index
    %get3A_21 = arith.constant 0 : index
    %get3A_22 = vector.load %arg4[%get3A_20, %get3A_21] : memref<768x256xf32, #tpu.memory_space<vmem>>, vector<768x256xf32>
    %dot_general3A_23 = arith.constant dense<0.000000e+00> : vector<1000x768xf32>
    %dot_general3A_24 = tpu.matmul %get3A_11, %get3A_22, %dot_general3A_23 {dimension_numbers = #tpu.dot_dimension_numbers<[1], [1], [0], [0], [0, 0, 1, 0], [], []>, transpose_lhs_hint = false} : vector<1000x256xf32>, vector<768x256xf32>, vector<1000x768xf32> -> vector<1000x768xf32>
    %get3A_25 = arith.constant 0 : index
    %get3A_26 = arith.constant 0 : index
    %get3A_27 = vector.load %arg6[%get3A_25, %get3A_26] : memref<1x768xf32, #tpu.memory_space<vmem>>, vector<1x768xf32>
    %add3A_28 = vector.broadcast %get3A_27 : vector<1x768xf32> to vector<1000x768xf32>
    %add3A_29 = arith.addf %dot_general3A_24, %add3A_28 : vector<1000x768xf32>
    %slice3A = vector.extract_strided_slice %add3A_19 {offsets = [0, 0], sizes = [1000, 256], strides = [1, 1]} : vector<1000x768xf32> to vector<1000x256xf32>
    %slice3A_30 = vector.extract_strided_slice %add3A_29 {offsets = [0, 0], sizes = [1000, 256], strides = [1, 1]} : vector<1000x768xf32> to vector<1000x256xf32>
    %add3A_31 = arith.addf %slice3A, %slice3A_30 : vector<1000x256xf32>
    %logistic3A = arith.negf %add3A_31 : vector<1000x256xf32>
    %logistic3A_32 = math.exp %logistic3A : vector<1000x256xf32>
    %logistic3A_33 = arith.constant 1.000000e+00 : f32
    %logistic3A_34 = vector.broadcast %logistic3A_33 : f32 to vector<1000x256xf32>
    %logistic3A_35 = arith.addf %logistic3A_34, %logistic3A_32 : vector<1000x256xf32>
    %logistic3A_36 = arith.divf %logistic3A_34, %logistic3A_35 : vector<1000x256xf32>
    %slice3A_37 = vector.extract_strided_slice %add3A_19 {offsets = [0, 256], sizes = [1000, 256], strides = [1, 1]} : vector<1000x768xf32> to vector<1000x256xf32>
    %slice3A_38 = vector.extract_strided_slice %add3A_29 {offsets = [0, 256], sizes = [1000, 256], strides = [1, 1]} : vector<1000x768xf32> to vector<1000x256xf32>
    %add3A_39 = arith.addf %slice3A_37, %slice3A_38 : vector<1000x256xf32>
    %logistic3A_40 = arith.negf %add3A_39 : vector<1000x256xf32>
    %logistic3A_41 = math.exp %logistic3A_40 : vector<1000x256xf32>
    %logistic3A_42 = arith.constant 1.000000e+00 : f32
    %logistic3A_43 = vector.broadcast %logistic3A_42 : f32 to vector<1000x256xf32>
    %logistic3A_44 = arith.addf %logistic3A_43, %logistic3A_41 : vector<1000x256xf32>
    %logistic3A_45 = arith.divf %logistic3A_43, %logistic3A_44 : vector<1000x256xf32>
    %slice3A_46 = vector.extract_strided_slice %add3A_19 {offsets = [0, 512], sizes = [1000, 256], strides = [1, 1]} : vector<1000x768xf32> to vector<1000x256xf32>
    %slice3A_47 = vector.extract_strided_slice %add3A_29 {offsets = [0, 512], sizes = [1000, 256], strides = [1, 1]} : vector<1000x768xf32> to vector<1000x256xf32>
    %mul3A = arith.mulf %logistic3A_36, %slice3A_47 : vector<1000x256xf32>
    %add3A_48 = arith.addf %slice3A_46, %mul3A : vector<1000x256xf32>
    %tanh3A = math.tanh %add3A_48 : vector<1000x256xf32>
    %sub3A = arith.constant 1.000000e+00 : f32
    %sub3A_49 = vector.broadcast %sub3A : f32 to vector<1000x256xf32>
    %sub3A_50 = arith.subf %sub3A_49, %logistic3A_45 : vector<1000x256xf32>
    %mul3A_51 = arith.mulf %sub3A_50, %tanh3A : vector<1000x256xf32>
    %mul3A_52 = arith.mulf %logistic3A_45, %get3A_11 : vector<1000x256xf32>
    %add3A_53 = arith.addf %mul3A_51, %mul3A_52 : vector<1000x256xf32>
    %swap3A = arith.constant 0 : index
    %swap3A_54 = arith.constant 0 : index
    %swap3A_55 = vector.load %arg8[%swap3A, %swap3A_54] : memref<1000x256xf32, #tpu.memory_space<vmem>>, vector<1000x256xf32>
    tpu.vector_store %arg8[%swap3A, %swap3A_54], %add3A_53 {strides = array<i32>} : memref<1000x256xf32, #tpu.memory_space<vmem>>, vector<1000x256xf32>,
    %get3A_56 = arith.constant 0 : index
    %get3A_57 = arith.constant 0 : index
    %get3A_58 = vector.load %arg7[%get3A_56, %get3A_57] : memref<256x256xf32, #tpu.memory_space<vmem>>, vector<256x256xf32>
    %dot_general3A_59 = arith.constant dense<0.000000e+00> : vector<1000x256xf32>
    %dot_general3A_60 = tpu.matmul %add3A_53, %get3A_58, %dot_general3A_59 {dimension_numbers = #tpu.dot_dimension_numbers<[1], [0], [0], [1], [0, 0, 1, 1], [], []>, transpose_lhs_hint = false} : vector<1000x256xf32>, vector<256x256xf32>, vector<1000x256xf32> -> vector<1000x256xf32>
    %slice3A_61 = vector.extract_strided_slice %dot_general3A_60 {offsets = [0, 0], sizes = [1000, 128], strides = [1, 1]} : vector<1000x256xf32> to vector<1000x128xf32>
    %swap3A_62 = arith.constant 0 : index
    %swap3A_63 = arith.constant 0 : index
    %swap3A_64 = arith.constant 0 : index
    %swap3A_65 = vector.load %arg9[%swap3A_62, %swap3A_63, %swap3A_64] : memref<2x1000x128xf32, #tpu.memory_space<vmem>>, vector<1x1000x128xf32>
    %swap3A_66 = vector.shape_cast %swap3A_65 : vector<1x1000x128xf32> to vector<1000x128xf32>
    %swap3A_67 = vector.shape_cast %slice3A_61 : vector<1000x128xf32> to vector<1x1000x128xf32>
    tpu.vector_store %arg9[%swap3A_62, %swap3A_63, %swap3A_64], %swap3A_67 {strides = array<i32>} : memref<2x1000x128xf32, #tpu.memory_space<vmem>>, vector<1x1000x128xf32>,
    %slice3A_68 = vector.extract_strided_slice %dot_general3A_60 {offsets = [0, 128], sizes = [1000, 128], strides = [1, 1]} : vector<1000x256xf32> to vector<1000x128xf32>
    %swap3A_69 = arith.constant 1 : index
    %swap3A_70 = arith.constant 0 : index
    %swap3A_71 = arith.constant 0 : index
    %swap3A_72 = vector.load %arg9[%swap3A_69, %swap3A_70, %swap3A_71] : memref<2x1000x128xf32, #tpu.memory_space<vmem>>, vector<1x1000x128xf32>
    %swap3A_73 = vector.shape_cast %swap3A_72 : vector<1x1000x128xf32> to vector<1000x128xf32>
    %swap3A_74 = vector.shape_cast %slice3A_68 : vector<1000x128xf32> to vector<1x1000x128xf32>
    tpu.vector_store %arg9[%swap3A_69, %swap3A_70, %swap3A_71], %swap3A_74 {strides = array<i32>} : memref<2x1000x128xf32, #tpu.memory_space<vmem>>, vector<1x1000x128xf32>,
    return
  }
  func.func @transform_0(%arg0: i32) -> (i32, i32, i32) {
    %c0_i32 = arith.constant 0 : i32
    %c0_i32_0 = arith.constant 0 : i32
    %c0_i32_1 = arith.constant 0 : i32
    return %c0_i32, %arg0, %c0_i32_0 : i32, i32, i32
  }
  func.func @transform_1(%arg0: i32) -> (i32, i32) {
    %c0_i32 = arith.constant 0 : i32
    %c0_i32_0 = arith.constant 0 : i32
    return %arg0, %c0_i32 : i32, i32
  }
  func.func @transform_2(%arg0: i32) -> (i32, i32) {
    %c0_i32 = arith.constant 0 : i32
    %c0_i32_0 = arith.constant 0 : i32
    %c0_i32_1 = arith.constant 0 : i32
    return %c0_i32, %c0_i32_0 : i32, i32
  }
  func.func @transform_3(%arg0: i32) -> (i32, i32) {
    %c0_i32 = arith.constant 0 : i32
    %c0_i32_0 = arith.constant 0 : i32
    %c0_i32_1 = arith.constant 0 : i32
    return %c0_i32, %c0_i32_0 : i32, i32
  }
  func.func @transform_4(%arg0: i32) -> (i32, i32) {
    %c0_i32 = arith.constant 0 : i32
    %c0_i32_0 = arith.constant 0 : i32
    %c0_i32_1 = arith.constant 0 : i32
    return %c0_i32, %c0_i32_0 : i32, i32
  }
  func.func @transform_5(%arg0: i32) -> (i32, i32) {
    %c0_i32 = arith.constant 0 : i32
    %c0_i32_0 = arith.constant 0 : i32
    %c0_i32_1 = arith.constant 0 : i32
    return %c0_i32, %c0_i32_0 : i32, i32
  }
  func.func @transform_6(%arg0: i32) -> (i32, i32) {
    %c0_i32 = arith.constant 0 : i32
    %c0_i32_0 = arith.constant 0 : i32
    %c0_i32_1 = arith.constant 0 : i32
    return %c0_i32, %c0_i32_0 : i32, i32
  }
  func.func @transform_7(%arg0: i32) -> (i32, i32) {
    %c0_i32 = arith.constant 0 : i32
    %c0_i32_0 = arith.constant 0 : i32
    return %arg0, %c0_i32 : i32, i32
  }
  func.func @transform_8(%arg0: i32) -> (i32, i32, i32) {
    %c0_i32 = arith.constant 0 : i32
    %c0_i32_0 = arith.constant 0 : i32
    %c0_i32_1 = arith.constant 0 : i32
    return %c0_i32, %arg0, %c0_i32_0 : i32, i32, i32
  }
}

module attributes {stable_mosaic.version = 14 : i64} {
  func.func @body(%arg0: i32, %arg1: memref<2x1000x128xf32, #tpu.memory_space<vmem>>, %arg2: memref<1000x256xf32, #tpu.memory_space<vmem>>, %arg3: memref<768x256xf32, #tpu.memory_space<vmem>>, %arg4: memref<768x256xf32, #tpu.memory_space<vmem>>, %arg5: memref<1x768xf32, #tpu.memory_space<vmem>>, %arg6: memref<1x768xf32, #tpu.memory_space<vmem>>, %arg7: memref<1000x256xf32, #tpu.memory_space<vmem>>) attributes {dimension_semantics = [#tpu.dimension_semantics<arbitrary>], iteration_bounds = array<i64: 10>, scalar_prefetch = 0 : i64, scratch_operands = 0 : i64, tpu.core_type = #tpu.core_type<tc>, window_params = [{transform_indices = @transform_0, window_bounds = array<i64: 2, 1000, 128>}, {transform_indices = @transform_1, window_bounds = array<i64: 1000, 256>}, {pipeline_mode = #tpu.pipeline_mode<synchronous>, transform_indices = @transform_2, window_bounds = array<i64: 768, 256>}, {pipeline_mode = #tpu.pipeline_mode<synchronous>, transform_indices = @transform_3, window_bounds = array<i64: 768, 256>}, {pipeline_mode = #tpu.pipeline_mode<synchronous>, transform_indices = @transform_4, window_bounds = array<i64: 1, 768>}, {pipeline_mode = #tpu.pipeline_mode<synchronous>, transform_indices = @transform_5, window_bounds = array<i64: 1, 768>}, {transform_indices = @transform_6, window_bounds = array<i64: 1000, 256>}]} {
    %get3A = arith.constant 0 : index
    %get3A_0 = arith.constant 0 : index
    %get3A_1 = arith.constant 0 : index
    %get3A_2 = vector.load %arg1[%get3A, %get3A_0, %get3A_1] : memref<2x1000x128xf32, #tpu.memory_space<vmem>>, vector<1x1000x128xf32>
    %get3A_3 = vector.shape_cast %get3A_2 : vector<1x1000x128xf32> to vector<1000x128xf32>
    %get3A_4 = arith.constant 1 : index
    %get3A_5 = arith.constant 0 : index
    %get3A_6 = arith.constant 0 : index
    %get3A_7 = vector.load %arg1[%get3A_4, %get3A_5, %get3A_6] : memref<2x1000x128xf32, #tpu.memory_space<vmem>>, vector<1x1000x128xf32>
    %get3A_8 = vector.shape_cast %get3A_7 : vector<1x1000x128xf32> to vector<1000x128xf32>
    %concatenate3A = tpu.concatenate %get3A_3, %get3A_8 in 1 : vector<1000x128xf32>, vector<1000x128xf32> -> vector<1000x256xf32>
    %get3A_9 = arith.constant 0 : index
    %get3A_10 = arith.constant 0 : index
    %get3A_11 = vector.load %arg2[%get3A_9, %get3A_10] : memref<1000x256xf32, #tpu.memory_space<vmem>>, vector<1000x256xf32>
    %get3A_12 = arith.constant 0 : index
    %get3A_13 = arith.constant 0 : index
    %get3A_14 = vector.load %arg3[%get3A_12, %get3A_13] : memref<768x256xf32, #tpu.memory_space<vmem>>, vector<768x256xf32>
    %dot_general3A = arith.constant dense<0.000000e+00> : vector<1000x768xf32>
    %dot_general3A_15 = tpu.matmul %concatenate3A, %get3A_14, %dot_general3A {dimension_numbers = #tpu.dot_dimension_numbers<[1], [1], [0], [0], [0, 0, 1, 0], [], []>, transpose_lhs_hint = false} : vector<1000x256xf32>, vector<768x256xf32>, vector<1000x768xf32> -> vector<1000x768xf32>
    %get3A_16 = arith.constant 0 : index
    %get3A_17 = arith.constant 0 : index
    %get3A_18 = vector.load %arg5[%get3A_16, %get3A_17] : memref<1x768xf32, #tpu.memory_space<vmem>>, vector<1x768xf32>
    %add3A = vector.broadcast %get3A_18 : vector<1x768xf32> to vector<1000x768xf32>
    %add3A_19 = arith.addf %dot_general3A_15, %add3A : vector<1000x768xf32>
    %get3A_20 = arith.constant 0 : index
    %get3A_21 = arith.constant 0 : index
    %get3A_22 = vector.load %arg4[%get3A_20, %get3A_21] : memref<768x256xf32, #tpu.memory_space<vmem>>, vector<768x256xf32>
    %dot_general3A_23 = arith.constant dense<0.000000e+00> : vector<1000x768xf32>
    %dot_general3A_24 = tpu.matmul %get3A_11, %get3A_22, %dot_general3A_23 {dimension_numbers = #tpu.dot_dimension_numbers<[1], [1], [0], [0], [0, 0, 1, 0], [], []>, transpose_lhs_hint = false} : vector<1000x256xf32>, vector<768x256xf32>, vector<1000x768xf32> -> vector<1000x768xf32>
    %get3A_25 = arith.constant 0 : index
    %get3A_26 = arith.constant 0 : index
    %get3A_27 = vector.load %arg6[%get3A_25, %get3A_26] : memref<1x768xf32, #tpu.memory_space<vmem>>, vector<1x768xf32>
    %add3A_28 = vector.broadcast %get3A_27 : vector<1x768xf32> to vector<1000x768xf32>
    %add3A_29 = arith.addf %dot_general3A_24, %add3A_28 : vector<1000x768xf32>
    %slice3A = vector.extract_strided_slice %add3A_19 {offsets = [0, 0], sizes = [1000, 256], strides = [1, 1]} : vector<1000x768xf32> to vector<1000x256xf32>
    %slice3A_30 = vector.extract_strided_slice %add3A_29 {offsets = [0, 0], sizes = [1000, 256], strides = [1, 1]} : vector<1000x768xf32> to vector<1000x256xf32>
    %add3A_31 = arith.addf %slice3A, %slice3A_30 : vector<1000x256xf32>
    %logistic3A = arith.negf %add3A_31 : vector<1000x256xf32>
    %logistic3A_32 = math.exp %logistic3A : vector<1000x256xf32>
    %logistic3A_33 = arith.constant 1.000000e+00 : f32
    %logistic3A_34 = vector.broadcast %logistic3A_33 : f32 to vector<1000x256xf32>
    %logistic3A_35 = arith.addf %logistic3A_34, %logistic3A_32 : vector<1000x256xf32>
    %logistic3A_36 = arith.divf %logistic3A_34, %logistic3A_35 : vector<1000x256xf32>
    %slice3A_37 = vector.extract_strided_slice %add3A_19 {offsets = [0, 256], sizes = [1000, 256], strides = [1, 1]} : vector<1000x768xf32> to vector<1000x256xf32>
    %slice3A_38 = vector.extract_strided_slice %add3A_29 {offsets = [0, 256], sizes = [1000, 256], strides = [1, 1]} : vector<1000x768xf32> to vector<1000x256xf32>
    %add3A_39 = arith.addf %slice3A_37, %slice3A_38 : vector<1000x256xf32>
    %logistic3A_40 = arith.negf %add3A_39 : vector<1000x256xf32>
    %logistic3A_41 = math.exp %logistic3A_40 : vector<1000x256xf32>
    %logistic3A_42 = arith.constant 1.000000e+00 : f32
    %logistic3A_43 = vector.broadcast %logistic3A_42 : f32 to vector<1000x256xf32>
    %logistic3A_44 = arith.addf %logistic3A_43, %logistic3A_41 : vector<1000x256xf32>
    %logistic3A_45 = arith.divf %logistic3A_43, %logistic3A_44 : vector<1000x256xf32>
    %slice3A_46 = vector.extract_strided_slice %add3A_19 {offsets = [0, 512], sizes = [1000, 256], strides = [1, 1]} : vector<1000x768xf32> to vector<1000x256xf32>
    %slice3A_47 = vector.extract_strided_slice %add3A_29 {offsets = [0, 512], sizes = [1000, 256], strides = [1, 1]} : vector<1000x768xf32> to vector<1000x256xf32>
    %mul3A = arith.mulf %logistic3A_36, %slice3A_47 : vector<1000x256xf32>
    %add3A_48 = arith.addf %slice3A_46, %mul3A : vector<1000x256xf32>
    %tanh3A = math.tanh %add3A_48 : vector<1000x256xf32>
    %sub3A = arith.constant 1.000000e+00 : f32
    %sub3A_49 = vector.broadcast %sub3A : f32 to vector<1000x256xf32>
    %sub3A_50 = arith.subf %sub3A_49, %logistic3A_45 : vector<1000x256xf32>
    %mul3A_51 = arith.mulf %sub3A_50, %tanh3A : vector<1000x256xf32>
    %mul3A_52 = arith.mulf %logistic3A_45, %get3A_11 : vector<1000x256xf32>
    %add3A_53 = arith.addf %mul3A_51, %mul3A_52 : vector<1000x256xf32>
    %swap3A = arith.constant 0 : index
    %swap3A_54 = arith.constant 0 : index
    %swap3A_55 = vector.load %arg7[%swap3A, %swap3A_54] : memref<1000x256xf32, #tpu.memory_space<vmem>>, vector<1000x256xf32>
    tpu.vector_store %arg7[%swap3A, %swap3A_54], %add3A_53 {strides = array<i32>} : memref<1000x256xf32, #tpu.memory_space<vmem>>, vector<1000x256xf32>,
    return
  }
  func.func @transform_0(%arg0: i32) -> (i32, i32, i32) {
    %c0_i32 = arith.constant 0 : i32
    %c0_i32_0 = arith.constant 0 : i32
    %c0_i32_1 = arith.constant 0 : i32
    return %c0_i32, %arg0, %c0_i32_0 : i32, i32, i32
  }
  func.func @transform_1(%arg0: i32) -> (i32, i32) {
    %c0_i32 = arith.constant 0 : i32
    %c0_i32_0 = arith.constant 0 : i32
    return %arg0, %c0_i32 : i32, i32
  }
  func.func @transform_2(%arg0: i32) -> (i32, i32) {
    %c0_i32 = arith.constant 0 : i32
    %c0_i32_0 = arith.constant 0 : i32
    %c0_i32_1 = arith.constant 0 : i32
    return %c0_i32, %c0_i32_0 : i32, i32
  }
  func.func @transform_3(%arg0: i32) -> (i32, i32) {
    %c0_i32 = arith.constant 0 : i32
    %c0_i32_0 = arith.constant 0 : i32
    %c0_i32_1 = arith.constant 0 : i32
    return %c0_i32, %c0_i32_0 : i32, i32
  }
  func.func @transform_4(%arg0: i32) -> (i32, i32) {
    %c0_i32 = arith.constant 0 : i32
    %c0_i32_0 = arith.constant 0 : i32
    %c0_i32_1 = arith.constant 0 : i32
    return %c0_i32, %c0_i32_0 : i32, i32
  }
  func.func @transform_5(%arg0: i32) -> (i32, i32) {
    %c0_i32 = arith.constant 0 : i32
    %c0_i32_0 = arith.constant 0 : i32
    %c0_i32_1 = arith.constant 0 : i32
    return %c0_i32, %c0_i32_0 : i32, i32
  }
  func.func @transform_6(%arg0: i32) -> (i32, i32) {
    %c0_i32 = arith.constant 0 : i32
    %c0_i32_0 = arith.constant 0 : i32
    return %arg0, %c0_i32 : i32, i32
  }
}

</mosaic_0001>

<sc_bundles>
// kernel: kernel.12.cloned.1.call-start
scs
__scs_entry_jumppad:
0x0: {  	(pc) =	sbr.rel $0x88, $3  }
0x1: {  	(tag) =	ssettag $0x0;
	lr =	simm.s32 $0x1  }
0x2: {  	[smem:$0x3F9A] =	sst lr;
	_ =	strace $0xD0000000  }
0x3: {  	_ = 	snop  }
0x4: {  	_ = 	snop  }
0x5: {  	_ = 	snop  }
0x6: {  	_ = 	snop  }
0x7: {  	_ = 	snop  }
__scs_overlays_trampoline_lowered:
0x8: {  	[smem:$0x3FA9] =	sst s0  }
0x9: {  	[smem:$0x3FAA] =	sst s1  }
0xa: {  	[smem:$0x3FAB] =	sst s2  }
0xb: {  	[smem:$0x3FAC] =	sst s3  }
0xc: {  	[smem:$0x3FAD] =	sst s4  }
0xd: {  	[smem:$0x3FAE] =	sst s5  }
0xe: {  	[smem:$0x3FAF] =	sst s6  }
0xf: {  	[smem:$0x3FB0] =	sst s7  }
0x10: {  	[smem:$0x3FB1] =	sst s8  }
0x11: {  	[smem:$0x3FB2] =	sst s9;
	s0 =	simm.s32 @!p0 $0x0  }
0x12: {  	s1 =	sld [smem:$0x3F98];
	s0 =	simm.s32 @p0 $0x1  }
0x13: {  	[smem:$0x3FB3] =	sst s0;
	s0 =	simm.s32 @!p1 $0x0  }
0x14: {  	s2 =	sld [smem:$0x3F97];
	s0 =	simm.s32 @p1 $0x1  }
0x15: {  	[smem:$0x3FB4] =	sst s0;
	s0 =	simm.s32 @!p2 $0x0  }
0x16: {  	s3 =	sld [smem:$0x3FDB];
	s0 =	simm.s32 @p2 $0x1  }
0x17: {  	s4 =	simm.s32 $0x1BF5;
	[smem:$0x3FB6] =	sst s0  }
0x18: {  	s0 =	sld [smem:$0x3F99];
	_ =	swait.ge [sflag:s4], $0x0  }
0x19: {  	s7 =	sld [smem:$0x3F9A]  }
0x1a: {  	s8 =	sadd.s32 $0xFFFFE003, lr  }
0x1b: {  	s9 =	sadd.s32 $0xFFFFFEF7, lr;
	s5 =	simm.s32 $0xFFFFFFFF;
	p2 =	slt.u32 s8, $0xFFFFF086  }
0x1c: {  	p1 =	slt.u32 s9, $0xF7A;
	s5 =	simm.s32 @!p2 $0x0  }
0x1d: {  	s5 =	simm.s32 @p1 $0x1;
	p0 =	seq.s32 s7, s2  }
0x1e: {  	s7 =	smul.u32 @!p0 $0xF7A, s2;
	p2 =	seq.s32 @!p0 s5, $0x0  }
0x1f: {  	s9 =	smul.u32 $0xF7A, s1;
	s8 =	simm.s32 @!p0 $0x1BF5;
	p2 =	por !p2, p0  }
0x20: {  	[sflag:s8] =	ssyncset.s32 @!p0 $0xFFFFF086;
	s6 =	sadd.s32 @!p0 s3, s7;
	s7 =	simm.s32 @!p0 $0x108  }
0x21: {  	s3 =	sadd.s32 s3, s9;
	s6 =	sadd.s32 @!p0 $0x88, s6;
	s7 =	simm.s32 @p2 $0x1082  }
0x22: {  	[simem:s7], [sflag:s8] =	dma.local @!p0 [hbm:s6], $0xF7A  }
0x23: {  	s9 =	sor.u32 $0xD0000000, s2;
	s6 =	simm.s32 $0x108;
	_ =	swait.ge @!p0 [sflag:s8], $0x0  }
0x24: {  	s3 =	sadd.s32 $0x88, s3;
	s6 =	simm.s32 @!p1 $0x1082;
	[sflag:s4] =	ssyncset.s32 $0xFFFFF086  }
0x25: {  	[simem:s6], [sflag:s4] =	dma.local [hbm:s3], $0xF7A  }
0x26: {  	[smem:$0x3F9A] =	sst s1;
	(tag) =	ssettag s2;
	_ =	strace s9  }
0x27: {  	s1 =	sld [smem:$0x3FAA]  }
0x28: {  	s2 =	sld [smem:$0x3FAB]  }
0x29: {  	s4 =	sld [smem:$0x3FAD]  }
0x2a: {  	p0 =	seq.s32 s5, $0x0;
	s5 =	sld [smem:$0x3FAE]  }
0x2b: {  	s6 =	sld [smem:$0x3FAF]  }
0x2c: {  	s7 =	sld [smem:$0x3FB0]  }
0x2d: {  	s3 =	simm.s32 $0x108;
	s8 =	sld [smem:$0x3FB1]  }
0x2e: {  	s3 =	simm.s32 @!p0 $0x1082;
	s9 =	sld [smem:$0x3FB2]  }
0x2f: {  	lr =	sadd.s32 s0, s3;
	s0 =	sld [smem:$0x3FA9]  }
0x30: {  	s3 =	sld [smem:$0x3FAC]  }
0x31: {  	[smem:$0x3FB5] =	sst s10  }
0x32: {  	s10 =	sld [smem:$0x3FB3];
	_ =	sdelay $0x3  }
0x33: {  	p0 =	seq.s32 s10, $0x1;
	s10 =	sld [smem:$0x3FB5];
	_ =	sdelay $0x3  }
0x34: {  	[smem:$0x3FB5] =	sst s10  }
0x35: {  	s10 =	sld [smem:$0x3FB4];
	_ =	sdelay $0x3  }
0x36: {  	p1 =	seq.s32 s10, $0x1;
	s10 =	sld [smem:$0x3FB5];
	_ =	sdelay $0x3  }
0x37: {  	[smem:$0x3FB5] =	sst s10  }
0x38: {  	s10 =	sld [smem:$0x3FB6]  }
0x39: {  	_ = 	snop;
	(pc) =	sbr.ind lr, $3  }
0x3a: {  	_ = 	snop  }
0x3b: {  	_ = 	snop  }
0x3c: {  	p2 =	seq.s32 s10, $0x1;
	s10 =	sld [smem:$0x3FB5]  }
0x3d: {  	_ =	shalt  }
0x3e: {  	_ =	shalt  }
0x3f: {  	_ =	shalt  }
0x40: {  	_ =	shalt  }
0x41: {  	_ =	shalt  }
0x42: {  	_ =	shalt  }
0x43: {  	_ =	shalt  }
0x44: {  	_ =	shalt  }
0x45: {  	_ =	shalt  }
0x46: {  	_ =	shalt  }
0x47: {  	_ =	shalt  }
0x48: {  	_ =	shalt  }
0x49: {  	_ =	shalt  }
0x4a: {  	_ =	shalt  }
0x4b: {  	_ =	shalt  }
0x4c: {  	_ =	shalt  }
0x4d: {  	_ =	shalt  }
0x4e: {  	_ =	shalt  }
0x4f: {  	_ =	shalt  }
0x50: {  	_ =	shalt  }
0x51: {  	_ =	shalt  }
0x52: {  	_ =	shalt  }
0x53: {  	_ =	shalt  }
0x54: {  	_ =	shalt  }
0x55: {  	_ =	shalt  }
0x56: {  	_ =	shalt  }
0x57: {  	_ =	shalt  }
0x58: {  	_ =	shalt  }
0x59: {  	_ =	shalt  }
0x5a: {  	_ =	shalt  }
0x5b: {  	_ =	shalt  }
0x5c: {  	_ =	shalt  }
0x5d: {  	_ =	shalt  }
0x5e: {  	_ =	shalt  }
0x5f: {  	_ =	shalt  }
0x60: {  	_ =	shalt  }
0x61: {  	_ =	shalt  }
0x62: {  	_ =	shalt  }
0x63: {  	_ =	shalt  }
0x64: {  	_ =	shalt  }
0x65: {  	_ =	shalt  }
0x66: {  	_ =	shalt  }
0x67: {  	_ =	shalt  }
0x68: {  	_ =	shalt  }
0x69: {  	_ =	shalt  }
0x6a: {  	_ =	shalt  }
0x6b: {  	_ =	shalt  }
0x6c: {  	_ =	shalt  }
0x6d: {  	_ =	shalt  }
0x6e: {  	_ =	shalt  }
0x6f: {  	_ =	shalt  }
0x70: {  	_ =	shalt  }
0x71: {  	_ =	shalt  }
0x72: {  	_ =	shalt  }
0x73: {  	_ =	shalt  }
0x74: {  	_ =	shalt  }
0x75: {  	_ =	shalt  }
0x76: {  	_ =	shalt  }
0x77: {  	_ =	shalt  }
0x78: {  	_ =	shalt  }
0x79: {  	_ =	shalt  }
0x7a: {  	_ =	shalt  }
0x7b: {  	_ =	shalt  }
0x7c: {  	_ =	shalt  }
0x7d: {  	_ =	shalt  }
0x7e: {  	_ =	shalt  }
0x7f: {  	_ =	shalt  }
0x80: {  	_ =	shalt  }
0x81: {  	_ =	shalt  }
0x82: {  	_ =	shalt  }
0x83: {  	_ =	shalt  }
0x84: {  	_ =	shalt  }
0x85: {  	_ =	shalt  }
0x86: {  	_ =	shalt  }
0x87: {  	_ =	shalt  }
.Lfunc_end0:
.L_simem_size_0:
called_computation.1_lowered:
.L_overlay_start_0:
0x88: {  	s2 =	sld [smem:$0x3FD9]  }
0x89: {  	s3 =	sld [smem:$0x3FFE];
	_ =	sdelay $0x1  }
0x8a: {  	s1 =	srdreg.scid  }
0x8b: {  	s0 =	sand.u32 $0x1, s1  }
0x8c: {  	s17 =	sshll.u32 s0, $0xA;
	s2 =	sadd.s32 s3, s2  }
0x8d: {  	s2 =	sadd.s32 s2, s17  }
0x8e: {  	[smem:$0x3FC1] =	sst s2  }
0x8f: {  	_ = 	snop  }
0x90: {  	s2 =	sld [smem:$0x3FD0];
	(tm) =	ssettm $0x1  }
0x91: {  	s18 =	sld [smem:$0x3FFB];
	_ =	sdelay $0x3  }
0x92: {  	_ =	strace s18  }
0x93: {  	s3 =	sld [smem:$0x3FFC];
	_ =	sdelay $0x3  }
0x94: {  	_ =	strace s3  }
0x95: {  	s3 =	sld [smem:$0x3FFD];
	_ =	sdelay $0x3  }
0x96: {  	_ =	strace s3  }
0x97: {  	_ =	strace $0x8FFFFFFF  }
0x98: {  	s19 =	sld [smem:$0x3FDB];
	_ =	sdelay $0x1  }
0x99: {  	s4 =	simm.s32 $_scs_section_size  }
0x9a: {  	s5 =	simm.s32 $_size__tile_overlayer_lowered;
	s6 =	simm.s32 $_tile_overlayer_lowered  }
0x9b: {  	s22 =	simm.s32 $0x1BFF;
	s21 =	sshll.u32 s6, $0x1;
	s3 =	sadd.s32 s4, s19  }
0x9c: {  	s7 =	simm.s32 $0x0;
	s20 =	sshll.u32 s5, $0x1;
	s5 =	sadd.s32 s21, s3  }
0x9d: {  	[timem:s7], [sflag:s22] =	dma.local [hbm:s5], s20  }
0x9e: {  	_ =	swait.ge [sflag:s22], s20  }
0x9f: {  	s4 =	ssub.s32 $0x0, s20;
	[sflag:s22] =	ssyncset.done $0x0  }
0xa0: {  	[sflag:s22] =	ssyncadd.s32 s4;
	_ =	sdelay $0x1  }
0xa1: {  	s23 =	simm.s32 $0x1B8B  }
0xa2: {  	_ =	swait.ge [sflag:s23], $0x1  }
0xa3: {  	[sflag:s23] =	ssyncset.done $0x0  }
0xa4: {  	s25 =	simm.s32 $0x1B8E;
	s24 =	sld [smem:$0x3FFE];
	[sflag:s23] =	ssyncadd.s32 $0xFFFFFFFF  }
0xa5: {  	s26 =	simm.s32 $execute0_lowered;
	[smem:$0x3FD2] =	sst s25  }
0xa6: {  	s5 =	sshll.u32 s26, $0x1;
	_ =	strace $0x80000049;
	[dreg:$0x1] =	wrdreg $0xFFFFFFFF  }
0xa7: {  	s28 =	simm.s32 $_size_execute0_lowered;
	s3 =	sadd.s32 s3, s5;
	[dreg:$0x0] =	wrdreg $0x0  }
0xa8: {  	s5 =	sshll.u32 s28, $0x1;
	[dreg:$0x2] =	wrdreg s3  }
0xa9: {  	[dreg:$0x3] =	wrdreg s5  }
0xaa: {  	[dreg:$0x4] =	wrdreg $0xC0  }
0xab: {  	_ =	task [dreg:s7], $0x5FFFF  }
0xac: {  	[dreg:$0x1] =	wrdreg $0xFFFFFFFF  }
0xad: {  	[dreg:$0x0] =	wrdreg $0x60  }
0xae: {  	[dreg:$0x2] =	wrdreg s2  }
0xaf: {  	[dreg:$0x3] =	wrdreg s24  }
0xb0: {  	[dreg:$0x4] =	wrdreg $0x90000  }
0xb1: {  	[dreg:$0x5] =	wrdreg $0x9  }
0xb2: {  	_ =	task.clear_ibuf [dreg:s7], $0x6FFFF;
	_ =	strace $0x90000049  }
0xb3: {  	s29 =	simm.s32 $0x9;
	_ =	strace $0x8000004B  }
0xb4: {  	_ =	swait.ge [sflag:s29], $0x1  }
0xb5: {  	[sflag:s29] =	ssyncadd.s32 $0xFFFFFFFF  }
0xb6: {  	_ =	strace $0x9000004B  }
0xb7: {  	_ =	sfence  }
0xb8: {  	s30 =	sld [smem:$0x0];
	_ =	sdelay $0x2  }
0xb9: {  	s31 =	sshll.u32 s1, $0xD;
	s1 =	sshrl.u32 s1, $0x2  }
0xba: {  	s3 =	sand.u32 $0x4000, s31;
	s1 =	sadd.s32 s1, s30  }
0xbb: {  	s0 =	sor.u32 s3, s0;
	s1 =	sshll.u32 s1, $0x11  }
0xbc: {  	s0 =	sor.u32 s1, s0  }
0xbd: {  	s0 =	sadd.s32 $0x8F2B, s0  }
0xbe: {  	[sflag:s0] =	ssyncadd.remote.s32 $0x1  }
0xbf: {  	_ =	sfence.sel $0xFFFF  }
0xc0: {  	[dreg:$0x0] =	wrdreg $0xFFFFFFFF;
	(pc) =	sbr.abs _section_cstart, $3  }
0xc1: {  	[dreg:$0x1] =	wrdreg $0xFFFFFFFF  }
0xc2: {  	_ =	task.clear_ibuf [dreg:s7], $0x2FFFF;
	_ =	strace $0x9FFFFFFF  }
0xc3: {  	(tm) =	ssettm $0x7FFFFFFF  }
tec
execute0_lowered:
.L_overlay_start_1:
0x0: {  	(tag) =	ssettag $0x1  }
0x1: {  	s2 =	rddreg [dreg:$0x0]  }
0x2: {  	s1 =	srdreg.scid;
	s7 =	rddreg [dreg:$0x1]  }
0x3: {  	s0 =	stileid.u32;
	s3 =	rddreg [dreg:$0x2];
	s4 =	simm.s32 $0x0  }
0x4: {  	s15 =	simm.s32 $0x5000;
	s16 =	simm.s32 $0x1;
	s17 =	simm.s32 $0x0  }
0x5: {  	s5 =	sand.u32 $0x1, s1;
	s6 =	smul.u32 $0x2800, s0;
	s1 =	rddreg [dreg:$0x3]  }
0x6: {  	[smem:$0x7FF] =	sst s4;
	s11 =	smul.u32 $0x50000, s0;
	s31 =	sshll.u32 s0, $0x6  }
0x7: {  	s8 =	smul.u32 $0x28000, s5;
	_ =	strace $0x8000004A;
	s5 =	ssub.s32 $0x2, s5  }
0x8: {  	s10 =	sshrl.u32 s6, $0x3;
	s12 =	sadd.s32 s6, s7;
	s29 =	sshrl.u32 s5, $0x1  }
0x9: {  	s30 =	sshrl.u32 s11, $0x2;
	s11 =	simm.s32 $0x2800;
	s8 =	sadd.s32 s6, s8  }
0xa: {  	s10 =	sadd.s32 s10, s7;
	s13 =	ssub.s32 s5, s29;
	s14 =	sadd.s32 s30, s3  }
0xb: {  	s9 =	sshrl.u32 s8, $0x3;
	s8 =	sadd.s32 s8, s7;
	s6 =	sadd.s32 $0x1E00, s10  }
0xc: {  	s10 =	simm.s32 $0x2;
	s9 =	sadd.s32 s9, s7;
	s7 =	sadd.s32 $0x10E00, s12  }
0xd: {  	s8 =	sadd.s32 $0x87000, s8;
	s12 =	sor.u32 $0x1C02, s31;
	s5 =	sadd.s32 $0x6E00, s9  }
0xe: {  	s9 =	smax.u32 s13, $0x1;
	s13 =	sshrl.u32 s14, $0x3;
	s14 =	simm.s32 $0x7D  }
.LBB2_1:
0xf: {  	[tilespmem:s4], [sflag:$0x2] =	stream.linear.gather [hbm4b:s5+s4], $0x2800, $0x38;
	[tilespmem:$0x1D000] =	vst v63  }
0x10: {  	_ =	swait.ge [sflag:s10], $0x2800  }
0x11: {  	[sflag:s10] =	ssyncset.done $0x0  }
0x12: {  	[sflag:s10] =	ssyncadd.s32 $0xFFFFD800  }
0x13: {  	[tilespmem:s11], [sflag:$0x2] =	stream.linear.gather [hbm4b:s6+s4], $0x2800, $0x38;
	[tilespmem:$0x1D000] =	vst v63  }
0x14: {  	_ =	swait.ge [sflag:s10], $0x2800  }
0x15: {  	[sflag:s10] =	ssyncset.done $0x0  }
0x16: {  	[sflag:s10] =	ssyncadd.s32 $0xFFFFD800  }
0x17: {  	[spmem:s13], [sflag:s12] =	dma.local [hbm:s7], $0x2800  }
0x18: {  	_ =	swait.ge [sflag:s10], $0x2800  }
0x19: {  	[sflag:s10] =	ssyncset.done $0x0  }
0x1a: {  	[sflag:s10] =	ssyncadd.s32 $0xFFFFD800  }
0x1b: {  	s18 =	simm.s32 $0x0;
	[bflag:$0x0] =	sbarrier.arrive $0xFFFF  }
0x1c: {  	[tilespmem:s15], [sflag:$0x1] =	stream.indirect.gather [hbm4b:s2+s14], $0x80, s18, s14, $0xb8;
	[tilespmem:$0x1D000] =	vst v63  }
0x1d: {  	_ =	swait.ge [sflag:s16], $0x3E80  }
0x1e: {  	[sflag:s16] =	ssyncset.done $0x0  }
0x1f: {  	s31 =	simm.s32 $0x2800;
	[sflag:s16] =	ssyncadd.s32 $0xFFFFC180  }
0x20: {  	[spmem:s3] =	stream.indirect.scatter.add.f32 [tilespmem:s15], [sflag:$0x2], $0x80, s31, s14, $0xb8;
	[tilespmem:$0x1D000] =	vst v63  }
0x21: {  	_ =	swait.ge [sflag:s10], $0x3E80  }
0x22: {  	s19 =	simm.s32 $0x400;
	s18 =	simm.s32 $0x200;
	[sflag:s10] =	ssyncset.done $0x0  }
.LBB2_2:
0x23: {  	s20 =	sshra.s32 s18, $0x2  }
0x24: {  	[sflag:s10] =	ssyncadd.s32 $0xFFFFC180;
	s18 =	smov.u32 s19;
	s21 =	sadd.s32 $0x200, s19  }
0x25: {  	[tilespmem:s15], [sflag:$0x1] =	stream.indirect.gather [hbm4b:s2+s14], $0x80, s20, s14, $0xb8;
	[tilespmem:$0x1D000] =	vst v63  }
0x26: {  	p0 =	sne.s32 s19, $0x9E00;
	_ =	swait.ge [sflag:s16], $0x3E80  }
.Ltmp0:
0x27: {  	[sflag:s16] =	ssyncset.done $0x0;
	(pc) =	sbr.rel @p0 .LBB2_2-.Ltmp0, $4  }
0x28: {  	s19 =	sadd.s32 $0x2800, s20;
	[sflag:s16] =	ssyncadd.s32 $0xFFFFC180  }
0x29: {  	[spmem:s3] =	stream.indirect.scatter.add.f32 [tilespmem:s15], [sflag:$0x2], $0x80, s19, s14, $0xb8;
	[tilespmem:$0x1D000] =	vst v63  }
0x2a: {  	_ =	swait.ge [sflag:s10], $0x3E80  }
0x2b: {  	s19 =	smov.u32 s21;
	[sflag:s10] =	ssyncset.done $0x0  }
0x2c: {  	s18 =	sshra.s32 s18, $0x2;
	[sflag:s10] =	ssyncadd.s32 $0xFFFFC180  }
0x2d: {  	[tilespmem:s15], [sflag:$0x1] =	stream.indirect.gather [hbm4b:s2+s14], $0x80, s18, s14, $0xb8;
	[tilespmem:$0x1D000] =	vst v63  }
0x2e: {  	_ =	swait.ge [sflag:s16], $0x3E80  }
0x2f: {  	[sflag:s16] =	ssyncset.done $0x0  }
0x30: {  	s18 =	sadd.s32 $0x2800, s18;
	[sflag:s16] =	ssyncadd.s32 $0xFFFFC180  }
0x31: {  	[spmem:s3] =	stream.indirect.scatter.add.f32 [tilespmem:s15], [sflag:$0x2], $0x80, s18, s14, $0xb8;
	[tilespmem:$0x1D000] =	vst v63  }
0x32: {  	_ =	swait.ge [sflag:s10], $0x3E80  }
0x33: {  	s17 =	sadd.s32 $0x1, s17;
	[sflag:s10] =	ssyncset.done $0x0  }
0x34: {  	p0 =	sne.s32 s17, s9;
	[sflag:s10] =	ssyncadd.s32 $0xFFFFC180  }
.Ltmp1:
0x35: {  	[bflag:$0x0] =	sbarrier.arrive $0xFFFF;
	(pc) =	sbr.rel @p0 .LBB2_1-.Ltmp1, $4  }
0x36: {  	[hbm:s8], [sflag:s12] =	dma.local [spmem:s13], $0x2800  }
0x37: {  	_ =	swait.ge [sflag:s10], $0x2800  }
0x38: {  	[sflag:s10] =	ssyncset.done $0x0  }
0x39: {  	[sflag:s10] =	ssyncadd.s32 $0xFFFFD800  }
0x3a: {  	_ =	sfence.sel $0x180000  }
0x3b: {  	[bflag:$0x0] =	sbarrier.arrive $0xFFFF  }
0x3c: {  	p0 =	sne.s32 s0, $0x0;
	_ =	strace $0x9000004A  }
0x3d: {  	s0 =	sadd.s32 @!p0 $0x100000, s1;
	[bflag:$0x2] =	sbarrier.arrive $0xFFFF  }
0x3e: {  	[sflag:s0] =	ssyncadd.tile.s32 @!p0 $0x1;
	_ =	shalt  }
.Lfunc_end2:
_tile_overlayer_lowered:
.L_overlay_start_2:
0x3f: {  	(tag) =	ssettag $0x2  }
0x40: {  	s0 =	rddreg [dreg:$0x0];
	s2 =	stileid.u32  }
0x41: {  	s1 =	rddreg [dreg:$0x1];
	p0 =	sne.s32 s2, $0x0  }
0x42: {  	s3 =	rddreg [dreg:$0x2];
	[bflag:$0x3] =	sbarrier.arrive $0xFFFF;
	s2 =	simm.s32 @!p0 $0x1C02  }
0x43: {  	[timem:s3], [sflag:s2] =	dma.local @!p0 [hbm:s0], s1  }
0x44: {  	s0 =	simm.s32 @!p0 $0x2  }
0x45: {  	_ =	swait.ge @!p0 [sflag:s0], s1  }
0x46: {  	s1 =	ssub.s32 @!p0 $0x0, s1;
	[sflag:s0] =	ssyncset.done @!p0 $0x0  }
0x47: {  	[sflag:s0] =	ssyncadd.s32 @!p0 s1  }
0x48: {  	[bflag:$0x3] =	sbarrier.arrive $0xFFFF  }
0x49: {  	_ =	shalt  }

// kernel: kernel.15.cloned.1.call-start
scs
__scs_entry_jumppad:
0x0: {  	(pc) =	sbr.rel $0x88, $3  }
0x1: {  	(tag) =	ssettag $0x0;
	lr =	simm.s32 $0x1  }
0x2: {  	[smem:$0x3F9A] =	sst lr;
	_ =	strace $0xD0000000  }
0x3: {  	_ = 	snop  }
0x4: {  	_ = 	snop  }
0x5: {  	_ = 	snop  }
0x6: {  	_ = 	snop  }
0x7: {  	_ = 	snop  }
__scs_overlays_trampoline_lowered:
0x8: {  	[smem:$0x3FA9] =	sst s0  }
0x9: {  	[smem:$0x3FAA] =	sst s1  }
0xa: {  	[smem:$0x3FAB] =	sst s2  }
0xb: {  	[smem:$0x3FAC] =	sst s3  }
0xc: {  	[smem:$0x3FAD] =	sst s4  }
0xd: {  	[smem:$0x3FAE] =	sst s5  }
0xe: {  	[smem:$0x3FAF] =	sst s6  }
0xf: {  	[smem:$0x3FB0] =	sst s7  }
0x10: {  	[smem:$0x3FB1] =	sst s8  }
0x11: {  	[smem:$0x3FB2] =	sst s9;
	s0 =	simm.s32 @!p0 $0x0  }
0x12: {  	s1 =	sld [smem:$0x3F98];
	s0 =	simm.s32 @p0 $0x1  }
0x13: {  	[smem:$0x3FB3] =	sst s0;
	s0 =	simm.s32 @!p1 $0x0  }
0x14: {  	s2 =	sld [smem:$0x3F97];
	s0 =	simm.s32 @p1 $0x1  }
0x15: {  	[smem:$0x3FB4] =	sst s0;
	s0 =	simm.s32 @!p2 $0x0  }
0x16: {  	s3 =	sld [smem:$0x3FDB];
	s0 =	simm.s32 @p2 $0x1  }
0x17: {  	s4 =	simm.s32 $0x1BF5;
	[smem:$0x3FB6] =	sst s0  }
0x18: {  	s0 =	sld [smem:$0x3F99];
	_ =	swait.ge [sflag:s4], $0x0  }
0x19: {  	s7 =	sld [smem:$0x3F9A]  }
0x1a: {  	s8 =	sadd.s32 $0xFFFFE003, lr  }
0x1b: {  	s9 =	sadd.s32 $0xFFFFFEF7, lr;
	s5 =	simm.s32 $0xFFFFFFFF;
	p2 =	slt.u32 s8, $0xFFFFF086  }
0x1c: {  	p1 =	slt.u32 s9, $0xF7A;
	s5 =	simm.s32 @!p2 $0x0  }
0x1d: {  	s5 =	simm.s32 @p1 $0x1;
	p0 =	seq.s32 s7, s2  }
0x1e: {  	s7 =	smul.u32 @!p0 $0xF7A, s2;
	p2 =	seq.s32 @!p0 s5, $0x0  }
0x1f: {  	s9 =	smul.u32 $0xF7A, s1;
	s8 =	simm.s32 @!p0 $0x1BF5;
	p2 =	por !p2, p0  }
0x20: {  	[sflag:s8] =	ssyncset.s32 @!p0 $0xFFFFF086;
	s6 =	sadd.s32 @!p0 s3, s7;
	s7 =	simm.s32 @!p0 $0x108  }
0x21: {  	s3 =	sadd.s32 s3, s9;
	s6 =	sadd.s32 @!p0 $0x88, s6;
	s7 =	simm.s32 @p2 $0x1082  }
0x22: {  	[simem:s7], [sflag:s8] =	dma.local @!p0 [hbm:s6], $0xF7A  }
0x23: {  	s9 =	sor.u32 $0xD0000000, s2;
	s6 =	simm.s32 $0x108;
	_ =	swait.ge @!p0 [sflag:s8], $0x0  }
0x24: {  	s3 =	sadd.s32 $0x88, s3;
	s6 =	simm.s32 @!p1 $0x1082;
	[sflag:s4] =	ssyncset.s32 $0xFFFFF086  }
0x25: {  	[simem:s6], [sflag:s4] =	dma.local [hbm:s3], $0xF7A  }
0x26: {  	[smem:$0x3F9A] =	sst s1;
	(tag) =	ssettag s2;
	_ =	strace s9  }
0x27: {  	s1 =	sld [smem:$0x3FAA]  }
0x28: {  	s2 =	sld [smem:$0x3FAB]  }
0x29: {  	s4 =	sld [smem:$0x3FAD]  }
0x2a: {  	p0 =	seq.s32 s5, $0x0;
	s5 =	sld [smem:$0x3FAE]  }
0x2b: {  	s6 =	sld [smem:$0x3FAF]  }
0x2c: {  	s7 =	sld [smem:$0x3FB0]  }
0x2d: {  	s3 =	simm.s32 $0x108;
	s8 =	sld [smem:$0x3FB1]  }
0x2e: {  	s3 =	simm.s32 @!p0 $0x1082;
	s9 =	sld [smem:$0x3FB2]  }
0x2f: {  	lr =	sadd.s32 s0, s3;
	s0 =	sld [smem:$0x3FA9]  }
0x30: {  	s3 =	sld [smem:$0x3FAC]  }
0x31: {  	[smem:$0x3FB5] =	sst s10  }
0x32: {  	s10 =	sld [smem:$0x3FB3];
	_ =	sdelay $0x3  }
0x33: {  	p0 =	seq.s32 s10, $0x1;
	s10 =	sld [smem:$0x3FB5];
	_ =	sdelay $0x3  }
0x34: {  	[smem:$0x3FB5] =	sst s10  }
0x35: {  	s10 =	sld [smem:$0x3FB4];
	_ =	sdelay $0x3  }
0x36: {  	p1 =	seq.s32 s10, $0x1;
	s10 =	sld [smem:$0x3FB5];
	_ =	sdelay $0x3  }
0x37: {  	[smem:$0x3FB5] =	sst s10  }
0x38: {  	s10 =	sld [smem:$0x3FB6]  }
0x39: {  	_ = 	snop;
	(pc) =	sbr.ind lr, $3  }
0x3a: {  	_ = 	snop  }
0x3b: {  	_ = 	snop  }
0x3c: {  	p2 =	seq.s32 s10, $0x1;
	s10 =	sld [smem:$0x3FB5]  }
0x3d: {  	_ =	shalt  }
0x3e: {  	_ =	shalt  }
0x3f: {  	_ =	shalt  }
0x40: {  	_ =	shalt  }
0x41: {  	_ =	shalt  }
0x42: {  	_ =	shalt  }
0x43: {  	_ =	shalt  }
0x44: {  	_ =	shalt  }
0x45: {  	_ =	shalt  }
0x46: {  	_ =	shalt  }
0x47: {  	_ =	shalt  }
0x48: {  	_ =	shalt  }
0x49: {  	_ =	shalt  }
0x4a: {  	_ =	shalt  }
0x4b: {  	_ =	shalt  }
0x4c: {  	_ =	shalt  }
0x4d: {  	_ =	shalt  }
0x4e: {  	_ =	shalt  }
0x4f: {  	_ =	shalt  }
0x50: {  	_ =	shalt  }
0x51: {  	_ =	shalt  }
0x52: {  	_ =	shalt  }
0x53: {  	_ =	shalt  }
0x54: {  	_ =	shalt  }
0x55: {  	_ =	shalt  }
0x56: {  	_ =	shalt  }
0x57: {  	_ =	shalt  }
0x58: {  	_ =	shalt  }
0x59: {  	_ =	shalt  }
0x5a: {  	_ =	shalt  }
0x5b: {  	_ =	shalt  }
0x5c: {  	_ =	shalt  }
0x5d: {  	_ =	shalt  }
0x5e: {  	_ =	shalt  }
0x5f: {  	_ =	shalt  }
0x60: {  	_ =	shalt  }
0x61: {  	_ =	shalt  }
0x62: {  	_ =	shalt  }
0x63: {  	_ =	shalt  }
0x64: {  	_ =	shalt  }
0x65: {  	_ =	shalt  }
0x66: {  	_ =	shalt  }
0x67: {  	_ =	shalt  }
0x68: {  	_ =	shalt  }
0x69: {  	_ =	shalt  }
0x6a: {  	_ =	shalt  }
0x6b: {  	_ =	shalt  }
0x6c: {  	_ =	shalt  }
0x6d: {  	_ =	shalt  }
0x6e: {  	_ =	shalt  }
0x6f: {  	_ =	shalt  }
0x70: {  	_ =	shalt  }
0x71: {  	_ =	shalt  }
0x72: {  	_ =	shalt  }
0x73: {  	_ =	shalt  }
0x74: {  	_ =	shalt  }
0x75: {  	_ =	shalt  }
0x76: {  	_ =	shalt  }
0x77: {  	_ =	shalt  }
0x78: {  	_ =	shalt  }
0x79: {  	_ =	shalt  }
0x7a: {  	_ =	shalt  }
0x7b: {  	_ =	shalt  }
0x7c: {  	_ =	shalt  }
0x7d: {  	_ =	shalt  }
0x7e: {  	_ =	shalt  }
0x7f: {  	_ =	shalt  }
0x80: {  	_ =	shalt  }
0x81: {  	_ =	shalt  }
0x82: {  	_ =	shalt  }
0x83: {  	_ =	shalt  }
0x84: {  	_ =	shalt  }
0x85: {  	_ =	shalt  }
0x86: {  	_ =	shalt  }
0x87: {  	_ =	shalt  }
.Lfunc_end0:
.L_simem_size_0:
called_computation.2_lowered:
.L_overlay_start_0:
0x88: {  	s2 =	sld [smem:$0x3FD9]  }
0x89: {  	s3 =	sld [smem:$0x3FFE];
	_ =	sdelay $0x1  }
0x8a: {  	s1 =	srdreg.scid  }
0x8b: {  	s0 =	sand.u32 $0x1, s1  }
0x8c: {  	s17 =	sshll.u32 s0, $0xA;
	s2 =	sadd.s32 s3, s2  }
0x8d: {  	s2 =	sadd.s32 s2, s17  }
0x8e: {  	[smem:$0x3FC1] =	sst s2  }
0x8f: {  	_ = 	snop  }
0x90: {  	s2 =	sld [smem:$0x3FD0];
	(tm) =	ssettm $0x1  }
0x91: {  	s18 =	sld [smem:$0x3FFB];
	_ =	sdelay $0x3  }
0x92: {  	_ =	strace s18  }
0x93: {  	s3 =	sld [smem:$0x3FFC];
	_ =	sdelay $0x3  }
0x94: {  	_ =	strace s3  }
0x95: {  	s3 =	sld [smem:$0x3FFD];
	_ =	sdelay $0x3  }
0x96: {  	_ =	strace s3  }
0x97: {  	_ =	strace $0x8FFFFFFF  }
0x98: {  	s19 =	sld [smem:$0x3FDB];
	_ =	sdelay $0x1  }
0x99: {  	s4 =	simm.s32 $_scs_section_size  }
0x9a: {  	s5 =	simm.s32 $_size__tile_overlayer_lowered;
	s6 =	simm.s32 $_tile_overlayer_lowered  }
0x9b: {  	s22 =	simm.s32 $0x1BFF;
	s21 =	sshll.u32 s6, $0x1;
	s3 =	sadd.s32 s4, s19  }
0x9c: {  	s7 =	simm.s32 $0x0;
	s20 =	sshll.u32 s5, $0x1;
	s5 =	sadd.s32 s21, s3  }
0x9d: {  	[timem:s7], [sflag:s22] =	dma.local [hbm:s5], s20  }
0x9e: {  	_ =	swait.ge [sflag:s22], s20  }
0x9f: {  	s4 =	ssub.s32 $0x0, s20;
	[sflag:s22] =	ssyncset.done $0x0  }
0xa0: {  	[sflag:s22] =	ssyncadd.s32 s4;
	_ =	sdelay $0x1  }
0xa1: {  	s23 =	simm.s32 $0x1B8B  }
0xa2: {  	_ =	swait.ge [sflag:s23], $0x1  }
0xa3: {  	[sflag:s23] =	ssyncset.done $0x0  }
0xa4: {  	s25 =	simm.s32 $0x1B8E;
	s24 =	sld [smem:$0x3FFE];
	[sflag:s23] =	ssyncadd.s32 $0xFFFFFFFF  }
0xa5: {  	s26 =	simm.s32 $execute0_lowered;
	[smem:$0x3FD2] =	sst s25  }
0xa6: {  	s5 =	sshll.u32 s26, $0x1;
	_ =	strace $0x8000004C;
	[dreg:$0x1] =	wrdreg $0xFFFFFFFF  }
0xa7: {  	s28 =	simm.s32 $_size_execute0_lowered;
	s3 =	sadd.s32 s3, s5;
	[dreg:$0x0] =	wrdreg $0x0  }
0xa8: {  	s5 =	sshll.u32 s28, $0x1;
	[dreg:$0x2] =	wrdreg s3  }
0xa9: {  	[dreg:$0x3] =	wrdreg s5  }
0xaa: {  	[dreg:$0x4] =	wrdreg $0xC0  }
0xab: {  	_ =	task [dreg:s7], $0x5FFFF  }
0xac: {  	[dreg:$0x1] =	wrdreg $0xFFFFFFFF  }
0xad: {  	[dreg:$0x0] =	wrdreg $0x60  }
0xae: {  	[dreg:$0x2] =	wrdreg s2  }
0xaf: {  	[dreg:$0x3] =	wrdreg s24  }
0xb0: {  	[dreg:$0x4] =	wrdreg $0x90000  }
0xb1: {  	[dreg:$0x5] =	wrdreg $0x9  }
0xb2: {  	_ =	task.clear_ibuf [dreg:s7], $0x6FFFF;
	_ =	strace $0x9000004C  }
0xb3: {  	s29 =	simm.s32 $0x9;
	_ =	strace $0x8000004E  }
0xb4: {  	_ =	swait.ge [sflag:s29], $0x1  }
0xb5: {  	[sflag:s29] =	ssyncadd.s32 $0xFFFFFFFF  }
0xb6: {  	_ =	strace $0x9000004E  }
0xb7: {  	_ =	sfence  }
0xb8: {  	s30 =	sld [smem:$0x0];
	_ =	sdelay $0x2  }
0xb9: {  	s31 =	sshll.u32 s1, $0xD;
	s1 =	sshrl.u32 s1, $0x2  }
0xba: {  	s3 =	sand.u32 $0x4000, s31;
	s1 =	sadd.s32 s1, s30  }
0xbb: {  	s0 =	sor.u32 s3, s0;
	s1 =	sshll.u32 s1, $0x11  }
0xbc: {  	s0 =	sor.u32 s1, s0  }
0xbd: {  	s0 =	sadd.s32 $0x8F2B, s0  }
0xbe: {  	[sflag:s0] =	ssyncadd.remote.s32 $0x1  }
0xbf: {  	_ =	sfence.sel $0xFFFF  }
0xc0: {  	[dreg:$0x0] =	wrdreg $0xFFFFFFFF;
	(pc) =	sbr.abs _section_cstart, $3  }
0xc1: {  	[dreg:$0x1] =	wrdreg $0xFFFFFFFF  }
0xc2: {  	_ =	task.clear_ibuf [dreg:s7], $0x2FFFF;
	_ =	strace $0x9FFFFFFF  }
0xc3: {  	(tm) =	ssettm $0x7FFFFFFF  }
tec
execute0_lowered:
.L_overlay_start_1:
0x0: {  	(tag) =	ssettag $0x1  }
0x1: {  	s2 =	rddreg [dreg:$0x0]  }
0x2: {  	s1 =	srdreg.scid;
	s7 =	rddreg [dreg:$0x1]  }
0x3: {  	s0 =	stileid.u32;
	s3 =	rddreg [dreg:$0x2];
	s4 =	simm.s32 $0x0  }
0x4: {  	s15 =	simm.s32 $0x5000;
	s16 =	simm.s32 $0x1;
	s17 =	simm.s32 $0x0  }
0x5: {  	s5 =	sand.u32 $0x1, s1;
	s6 =	smul.u32 $0x2800, s0;
	s1 =	rddreg [dreg:$0x3]  }
0x6: {  	[smem:$0x7FF] =	sst s4;
	s11 =	smul.u32 $0x50000, s0;
	s31 =	sshll.u32 s0, $0x6  }
0x7: {  	s8 =	smul.u32 $0x28000, s5;
	_ =	strace $0x8000004D;
	s5 =	ssub.s32 $0x2, s5  }
0x8: {  	s10 =	sshrl.u32 s6, $0x3;
	s12 =	sadd.s32 s6, s7;
	s29 =	sshrl.u32 s5, $0x1  }
0x9: {  	s30 =	sshrl.u32 s11, $0x2;
	s11 =	simm.s32 $0x2800;
	s8 =	sadd.s32 s6, s8  }
0xa: {  	s10 =	sadd.s32 s10, s7;
	s13 =	ssub.s32 s5, s29;
	s14 =	sadd.s32 s30, s3  }
0xb: {  	s9 =	sshrl.u32 s8, $0x3;
	s8 =	sadd.s32 s8, s7;
	s6 =	sadd.s32 $0x1E00, s10  }
0xc: {  	s10 =	simm.s32 $0x2;
	s9 =	sadd.s32 s9, s7;
	s7 =	sadd.s32 $0x10E00, s12  }
0xd: {  	s8 =	sadd.s32 $0x38E00, s8;
	s12 =	sor.u32 $0x1C02, s31;
	s5 =	sadd.s32 $0x6E00, s9  }
0xe: {  	s9 =	smax.u32 s13, $0x1;
	s13 =	sshrl.u32 s14, $0x3;
	s14 =	simm.s32 $0x7D  }
.LBB2_1:
0xf: {  	[tilespmem:s4], [sflag:$0x2] =	stream.linear.gather [hbm4b:s5+s4], $0x2800, $0x38;
	[tilespmem:$0x1D000] =	vst v63  }
0x10: {  	_ =	swait.ge [sflag:s10], $0x2800  }
0x11: {  	[sflag:s10] =	ssyncset.done $0x0  }
0x12: {  	[sflag:s10] =	ssyncadd.s32 $0xFFFFD800  }
0x13: {  	[tilespmem:s11], [sflag:$0x2] =	stream.linear.gather [hbm4b:s6+s4], $0x2800, $0x38;
	[tilespmem:$0x1D000] =	vst v63  }
0x14: {  	_ =	swait.ge [sflag:s10], $0x2800  }
0x15: {  	[sflag:s10] =	ssyncset.done $0x0  }
0x16: {  	[sflag:s10] =	ssyncadd.s32 $0xFFFFD800  }
0x17: {  	[spmem:s13], [sflag:s12] =	dma.local [hbm:s7], $0x2800  }
0x18: {  	_ =	swait.ge [sflag:s10], $0x2800  }
0x19: {  	[sflag:s10] =	ssyncset.done $0x0  }
0x1a: {  	[sflag:s10] =	ssyncadd.s32 $0xFFFFD800  }
0x1b: {  	s18 =	simm.s32 $0x0;
	[bflag:$0x0] =	sbarrier.arrive $0xFFFF  }
0x1c: {  	[tilespmem:s15], [sflag:$0x1] =	stream.indirect.gather [hbm4b:s2+s14], $0x80, s18, s14, $0xb8;
	[tilespmem:$0x1D000] =	vst v63  }
0x1d: {  	_ =	swait.ge [sflag:s16], $0x3E80  }
0x1e: {  	[sflag:s16] =	ssyncset.done $0x0  }
0x1f: {  	s31 =	simm.s32 $0x2800;
	[sflag:s16] =	ssyncadd.s32 $0xFFFFC180  }
0x20: {  	[spmem:s3] =	stream.indirect.scatter.add.f32 [tilespmem:s15], [sflag:$0x2], $0x80, s31, s14, $0xb8;
	[tilespmem:$0x1D000] =	vst v63  }
0x21: {  	_ =	swait.ge [sflag:s10], $0x3E80  }
0x22: {  	s19 =	simm.s32 $0x400;
	s18 =	simm.s32 $0x200;
	[sflag:s10] =	ssyncset.done $0x0  }
.LBB2_2:
0x23: {  	s20 =	sshra.s32 s18, $0x2  }
0x24: {  	[sflag:s10] =	ssyncadd.s32 $0xFFFFC180;
	s18 =	smov.u32 s19;
	s21 =	sadd.s32 $0x200, s19  }
0x25: {  	[tilespmem:s15], [sflag:$0x1] =	stream.indirect.gather [hbm4b:s2+s14], $0x80, s20, s14, $0xb8;
	[tilespmem:$0x1D000] =	vst v63  }
0x26: {  	p0 =	sne.s32 s19, $0x9E00;
	_ =	swait.ge [sflag:s16], $0x3E80  }
.Ltmp0:
0x27: {  	[sflag:s16] =	ssyncset.done $0x0;
	(pc) =	sbr.rel @p0 .LBB2_2-.Ltmp0, $4  }
0x28: {  	s19 =	sadd.s32 $0x2800, s20;
	[sflag:s16] =	ssyncadd.s32 $0xFFFFC180  }
0x29: {  	[spmem:s3] =	stream.indirect.scatter.add.f32 [tilespmem:s15], [sflag:$0x2], $0x80, s19, s14, $0xb8;
	[tilespmem:$0x1D000] =	vst v63  }
0x2a: {  	_ =	swait.ge [sflag:s10], $0x3E80  }
0x2b: {  	s19 =	smov.u32 s21;
	[sflag:s10] =	ssyncset.done $0x0  }
0x2c: {  	s18 =	sshra.s32 s18, $0x2;
	[sflag:s10] =	ssyncadd.s32 $0xFFFFC180  }
0x2d: {  	[tilespmem:s15], [sflag:$0x1] =	stream.indirect.gather [hbm4b:s2+s14], $0x80, s18, s14, $0xb8;
	[tilespmem:$0x1D000] =	vst v63  }
0x2e: {  	_ =	swait.ge [sflag:s16], $0x3E80  }
0x2f: {  	[sflag:s16] =	ssyncset.done $0x0  }
0x30: {  	s18 =	sadd.s32 $0x2800, s18;
	[sflag:s16] =	ssyncadd.s32 $0xFFFFC180  }
0x31: {  	[spmem:s3] =	stream.indirect.scatter.add.f32 [tilespmem:s15], [sflag:$0x2], $0x80, s18, s14, $0xb8;
	[tilespmem:$0x1D000] =	vst v63  }
0x32: {  	_ =	swait.ge [sflag:s10], $0x3E80  }
0x33: {  	s17 =	sadd.s32 $0x1, s17;
	[sflag:s10] =	ssyncset.done $0x0  }
0x34: {  	p0 =	sne.s32 s17, s9;
	[sflag:s10] =	ssyncadd.s32 $0xFFFFC180  }
.Ltmp1:
0x35: {  	[bflag:$0x0] =	sbarrier.arrive $0xFFFF;
	(pc) =	sbr.rel @p0 .LBB2_1-.Ltmp1, $4  }
0x36: {  	[hbm:s8], [sflag:s12] =	dma.local [spmem:s13], $0x2800  }
0x37: {  	_ =	swait.ge [sflag:s10], $0x2800  }
0x38: {  	[sflag:s10] =	ssyncset.done $0x0  }
0x39: {  	[sflag:s10] =	ssyncadd.s32 $0xFFFFD800  }
0x3a: {  	_ =	sfence.sel $0x180000  }
0x3b: {  	[bflag:$0x0] =	sbarrier.arrive $0xFFFF  }
0x3c: {  	p0 =	sne.s32 s0, $0x0;
	_ =	strace $0x9000004D  }
0x3d: {  	s0 =	sadd.s32 @!p0 $0x100000, s1;
	[bflag:$0x2] =	sbarrier.arrive $0xFFFF  }
0x3e: {  	[sflag:s0] =	ssyncadd.tile.s32 @!p0 $0x1;
	_ =	shalt  }
.Lfunc_end2:
_tile_overlayer_lowered:
.L_overlay_start_2:
0x3f: {  	(tag) =	ssettag $0x2  }
0x40: {  	s0 =	rddreg [dreg:$0x0];
	s2 =	stileid.u32  }
0x41: {  	s1 =	rddreg [dreg:$0x1];
	p0 =	sne.s32 s2, $0x0  }
0x42: {  	s3 =	rddreg [dreg:$0x2];
	[bflag:$0x3] =	sbarrier.arrive $0xFFFF;
	s2 =	simm.s32 @!p0 $0x1C02  }
0x43: {  	[timem:s3], [sflag:s2] =	dma.local @!p0 [hbm:s0], s1  }
0x44: {  	s0 =	simm.s32 @!p0 $0x2  }
0x45: {  	_ =	swait.ge @!p0 [sflag:s0], s1  }
0x46: {  	s1 =	ssub.s32 @!p0 $0x0, s1;
	[sflag:s0] =	ssyncset.done @!p0 $0x0  }
0x47: {  	[sflag:s0] =	ssyncadd.s32 @!p0 s1  }
0x48: {  	[bflag:$0x3] =	sbarrier.arrive $0xFFFF  }
0x49: {  	_ =	shalt  }

// kernel: kernel.9.cloned.1.call-start
scs
__scs_entry_jumppad:
0x0: {  	(pc) =	sbr.rel $0x88, $3  }
0x1: {  	(tag) =	ssettag $0x0;
	lr =	simm.s32 $0x1  }
0x2: {  	[smem:$0x3F9A] =	sst lr;
	_ =	strace $0xD0000000  }
0x3: {  	_ = 	snop  }
0x4: {  	_ = 	snop  }
0x5: {  	_ = 	snop  }
0x6: {  	_ = 	snop  }
0x7: {  	_ = 	snop  }
__scs_overlays_trampoline_lowered:
0x8: {  	[smem:$0x3FA9] =	sst s0  }
0x9: {  	[smem:$0x3FAA] =	sst s1  }
0xa: {  	[smem:$0x3FAB] =	sst s2  }
0xb: {  	[smem:$0x3FAC] =	sst s3  }
0xc: {  	[smem:$0x3FAD] =	sst s4  }
0xd: {  	[smem:$0x3FAE] =	sst s5  }
0xe: {  	[smem:$0x3FAF] =	sst s6  }
0xf: {  	[smem:$0x3FB0] =	sst s7  }
0x10: {  	[smem:$0x3FB1] =	sst s8  }
0x11: {  	[smem:$0x3FB2] =	sst s9;
	s0 =	simm.s32 @!p0 $0x0  }
0x12: {  	s1 =	sld [smem:$0x3F98];
	s0 =	simm.s32 @p0 $0x1  }
0x13: {  	[smem:$0x3FB3] =	sst s0;
	s0 =	simm.s32 @!p1 $0x0  }
0x14: {  	s2 =	sld [smem:$0x3F97];
	s0 =	simm.s32 @p1 $0x1  }
0x15: {  	[smem:$0x3FB4] =	sst s0;
	s0 =	simm.s32 @!p2 $0x0  }
0x16: {  	s3 =	sld [smem:$0x3FDB];
	s0 =	simm.s32 @p2 $0x1  }
0x17: {  	s4 =	simm.s32 $0x1BF5;
	[smem:$0x3FB6] =	sst s0  }
0x18: {  	s0 =	sld [smem:$0x3F99];
	_ =	swait.ge [sflag:s4], $0x0  }
0x19: {  	s7 =	sld [smem:$0x3F9A]  }
0x1a: {  	s8 =	sadd.s32 $0xFFFFE003, lr  }
0x1b: {  	s9 =	sadd.s32 $0xFFFFFEF7, lr;
	s5 =	simm.s32 $0xFFFFFFFF;
	p2 =	slt.u32 s8, $0xFFFFF086  }
0x1c: {  	p1 =	slt.u32 s9, $0xF7A;
	s5 =	simm.s32 @!p2 $0x0  }
0x1d: {  	s5 =	simm.s32 @p1 $0x1;
	p0 =	seq.s32 s7, s2  }
0x1e: {  	s7 =	smul.u32 @!p0 $0xF7A, s2;
	p2 =	seq.s32 @!p0 s5, $0x0  }
0x1f: {  	s9 =	smul.u32 $0xF7A, s1;
	s8 =	simm.s32 @!p0 $0x1BF5;
	p2 =	por !p2, p0  }
0x20: {  	[sflag:s8] =	ssyncset.s32 @!p0 $0xFFFFF086;
	s6 =	sadd.s32 @!p0 s3, s7;
	s7 =	simm.s32 @!p0 $0x108  }
0x21: {  	s3 =	sadd.s32 s3, s9;
	s6 =	sadd.s32 @!p0 $0x88, s6;
	s7 =	simm.s32 @p2 $0x1082  }
0x22: {  	[simem:s7], [sflag:s8] =	dma.local @!p0 [hbm:s6], $0xF7A  }
0x23: {  	s9 =	sor.u32 $0xD0000000, s2;
	s6 =	simm.s32 $0x108;
	_ =	swait.ge @!p0 [sflag:s8], $0x0  }
0x24: {  	s3 =	sadd.s32 $0x88, s3;
	s6 =	simm.s32 @!p1 $0x1082;
	[sflag:s4] =	ssyncset.s32 $0xFFFFF086  }
0x25: {  	[simem:s6], [sflag:s4] =	dma.local [hbm:s3], $0xF7A  }
0x26: {  	[smem:$0x3F9A] =	sst s1;
	(tag) =	ssettag s2;
	_ =	strace s9  }
0x27: {  	s1 =	sld [smem:$0x3FAA]  }
0x28: {  	s2 =	sld [smem:$0x3FAB]  }
0x29: {  	s4 =	sld [smem:$0x3FAD]  }
0x2a: {  	p0 =	seq.s32 s5, $0x0;
	s5 =	sld [smem:$0x3FAE]  }
0x2b: {  	s6 =	sld [smem:$0x3FAF]  }
0x2c: {  	s7 =	sld [smem:$0x3FB0]  }
0x2d: {  	s3 =	simm.s32 $0x108;
	s8 =	sld [smem:$0x3FB1]  }
0x2e: {  	s3 =	simm.s32 @!p0 $0x1082;
	s9 =	sld [smem:$0x3FB2]  }
0x2f: {  	lr =	sadd.s32 s0, s3;
	s0 =	sld [smem:$0x3FA9]  }
0x30: {  	s3 =	sld [smem:$0x3FAC]  }
0x31: {  	[smem:$0x3FB5] =	sst s10  }
0x32: {  	s10 =	sld [smem:$0x3FB3];
	_ =	sdelay $0x3  }
0x33: {  	p0 =	seq.s32 s10, $0x1;
	s10 =	sld [smem:$0x3FB5];
	_ =	sdelay $0x3  }
0x34: {  	[smem:$0x3FB5] =	sst s10  }
0x35: {  	s10 =	sld [smem:$0x3FB4];
	_ =	sdelay $0x3  }
0x36: {  	p1 =	seq.s32 s10, $0x1;
	s10 =	sld [smem:$0x3FB5];
	_ =	sdelay $0x3  }
0x37: {  	[smem:$0x3FB5] =	sst s10  }
0x38: {  	s10 =	sld [smem:$0x3FB6]  }
0x39: {  	_ = 	snop;
	(pc) =	sbr.ind lr, $3  }
0x3a: {  	_ = 	snop  }
0x3b: {  	_ = 	snop  }
0x3c: {  	p2 =	seq.s32 s10, $0x1;
	s10 =	sld [smem:$0x3FB5]  }
0x3d: {  	_ =	shalt  }
0x3e: {  	_ =	shalt  }
0x3f: {  	_ =	shalt  }
0x40: {  	_ =	shalt  }
0x41: {  	_ =	shalt  }
0x42: {  	_ =	shalt  }
0x43: {  	_ =	shalt  }
0x44: {  	_ =	shalt  }
0x45: {  	_ =	shalt  }
0x46: {  	_ =	shalt  }
0x47: {  	_ =	shalt  }
0x48: {  	_ =	shalt  }
0x49: {  	_ =	shalt  }
0x4a: {  	_ =	shalt  }
0x4b: {  	_ =	shalt  }
0x4c: {  	_ =	shalt  }
0x4d: {  	_ =	shalt  }
0x4e: {  	_ =	shalt  }
0x4f: {  	_ =	shalt  }
0x50: {  	_ =	shalt  }
0x51: {  	_ =	shalt  }
0x52: {  	_ =	shalt  }
0x53: {  	_ =	shalt  }
0x54: {  	_ =	shalt  }
0x55: {  	_ =	shalt  }
0x56: {  	_ =	shalt  }
0x57: {  	_ =	shalt  }
0x58: {  	_ =	shalt  }
0x59: {  	_ =	shalt  }
0x5a: {  	_ =	shalt  }
0x5b: {  	_ =	shalt  }
0x5c: {  	_ =	shalt  }
0x5d: {  	_ =	shalt  }
0x5e: {  	_ =	shalt  }
0x5f: {  	_ =	shalt  }
0x60: {  	_ =	shalt  }
0x61: {  	_ =	shalt  }
0x62: {  	_ =	shalt  }
0x63: {  	_ =	shalt  }
0x64: {  	_ =	shalt  }
0x65: {  	_ =	shalt  }
0x66: {  	_ =	shalt  }
0x67: {  	_ =	shalt  }
0x68: {  	_ =	shalt  }
0x69: {  	_ =	shalt  }
0x6a: {  	_ =	shalt  }
0x6b: {  	_ =	shalt  }
0x6c: {  	_ =	shalt  }
0x6d: {  	_ =	shalt  }
0x6e: {  	_ =	shalt  }
0x6f: {  	_ =	shalt  }
0x70: {  	_ =	shalt  }
0x71: {  	_ =	shalt  }
0x72: {  	_ =	shalt  }
0x73: {  	_ =	shalt  }
0x74: {  	_ =	shalt  }
0x75: {  	_ =	shalt  }
0x76: {  	_ =	shalt  }
0x77: {  	_ =	shalt  }
0x78: {  	_ =	shalt  }
0x79: {  	_ =	shalt  }
0x7a: {  	_ =	shalt  }
0x7b: {  	_ =	shalt  }
0x7c: {  	_ =	shalt  }
0x7d: {  	_ =	shalt  }
0x7e: {  	_ =	shalt  }
0x7f: {  	_ =	shalt  }
0x80: {  	_ =	shalt  }
0x81: {  	_ =	shalt  }
0x82: {  	_ =	shalt  }
0x83: {  	_ =	shalt  }
0x84: {  	_ =	shalt  }
0x85: {  	_ =	shalt  }
0x86: {  	_ =	shalt  }
0x87: {  	_ =	shalt  }
.Lfunc_end0:
.L_simem_size_0:
called_computation_lowered:
.L_overlay_start_0:
0x88: {  	s2 =	sld [smem:$0x3FD9]  }
0x89: {  	s3 =	sld [smem:$0x3FFE];
	_ =	sdelay $0x1  }
0x8a: {  	s1 =	srdreg.scid  }
0x8b: {  	s0 =	sand.u32 $0x1, s1  }
0x8c: {  	s17 =	sshll.u32 s0, $0xA;
	s2 =	sadd.s32 s3, s2  }
0x8d: {  	s2 =	sadd.s32 s2, s17  }
0x8e: {  	[smem:$0x3FC1] =	sst s2  }
0x8f: {  	_ = 	snop  }
0x90: {  	s2 =	sld [smem:$0x3FD0];
	(tm) =	ssettm $0x1  }
0x91: {  	s18 =	sld [smem:$0x3FFB];
	_ =	sdelay $0x3  }
0x92: {  	_ =	strace s18  }
0x93: {  	s3 =	sld [smem:$0x3FFC];
	_ =	sdelay $0x3  }
0x94: {  	_ =	strace s3  }
0x95: {  	s3 =	sld [smem:$0x3FFD];
	_ =	sdelay $0x3  }
0x96: {  	_ =	strace s3  }
0x97: {  	_ =	strace $0x8FFFFFFF  }
0x98: {  	s19 =	sld [smem:$0x3FDB];
	_ =	sdelay $0x1  }
0x99: {  	s4 =	simm.s32 $_scs_section_size  }
0x9a: {  	s5 =	simm.s32 $_size__tile_overlayer_lowered;
	s6 =	simm.s32 $_tile_overlayer_lowered  }
0x9b: {  	s22 =	simm.s32 $0x1BFF;
	s21 =	sshll.u32 s6, $0x1;
	s3 =	sadd.s32 s4, s19  }
0x9c: {  	s7 =	simm.s32 $0x0;
	s20 =	sshll.u32 s5, $0x1;
	s5 =	sadd.s32 s21, s3  }
0x9d: {  	[timem:s7], [sflag:s22] =	dma.local [hbm:s5], s20  }
0x9e: {  	_ =	swait.ge [sflag:s22], s20  }
0x9f: {  	s4 =	ssub.s32 $0x0, s20;
	[sflag:s22] =	ssyncset.done $0x0  }
0xa0: {  	[sflag:s22] =	ssyncadd.s32 s4;
	_ =	sdelay $0x1  }
0xa1: {  	s23 =	simm.s32 $0x1B8B  }
0xa2: {  	_ =	swait.ge [sflag:s23], $0x1  }
0xa3: {  	[sflag:s23] =	ssyncset.done $0x0  }
0xa4: {  	s25 =	simm.s32 $0x1B8E;
	s24 =	sld [smem:$0x3FFE];
	[sflag:s23] =	ssyncadd.s32 $0xFFFFFFFF  }
0xa5: {  	s26 =	simm.s32 $execute0_lowered;
	[smem:$0x3FD2] =	sst s25  }
0xa6: {  	s5 =	sshll.u32 s26, $0x1;
	_ =	strace $0x80000046;
	[dreg:$0x1] =	wrdreg $0xFFFFFFFF  }
0xa7: {  	s28 =	simm.s32 $_size_execute0_lowered;
	s3 =	sadd.s32 s3, s5;
	[dreg:$0x0] =	wrdreg $0x0  }
0xa8: {  	s5 =	sshll.u32 s28, $0x1;
	[dreg:$0x2] =	wrdreg s3  }
0xa9: {  	[dreg:$0x3] =	wrdreg s5  }
0xaa: {  	[dreg:$0x4] =	wrdreg $0xC0  }
0xab: {  	_ =	task [dreg:s7], $0x5FFFF  }
0xac: {  	[dreg:$0x1] =	wrdreg $0xFFFFFFFF  }
0xad: {  	[dreg:$0x0] =	wrdreg $0x60  }
0xae: {  	[dreg:$0x2] =	wrdreg s2  }
0xaf: {  	[dreg:$0x3] =	wrdreg s24  }
0xb0: {  	[dreg:$0x4] =	wrdreg $0x90000  }
0xb1: {  	[dreg:$0x5] =	wrdreg $0x9  }
0xb2: {  	_ =	task.clear_ibuf [dreg:s7], $0x6FFFF;
	_ =	strace $0x90000046  }
0xb3: {  	s29 =	simm.s32 $0x9;
	_ =	strace $0x80000048  }
0xb4: {  	_ =	swait.ge [sflag:s29], $0x1  }
0xb5: {  	[sflag:s29] =	ssyncadd.s32 $0xFFFFFFFF  }
0xb6: {  	_ =	strace $0x90000048  }
0xb7: {  	_ =	sfence  }
0xb8: {  	s30 =	sld [smem:$0x0];
	_ =	sdelay $0x2  }
0xb9: {  	s31 =	sshll.u32 s1, $0xD;
	s1 =	sshrl.u32 s1, $0x2  }
0xba: {  	s3 =	sand.u32 $0x4000, s31;
	s1 =	sadd.s32 s1, s30  }
0xbb: {  	s0 =	sor.u32 s3, s0;
	s1 =	sshll.u32 s1, $0x11  }
0xbc: {  	s0 =	sor.u32 s1, s0  }
0xbd: {  	s0 =	sadd.s32 $0x8F2B, s0  }
0xbe: {  	[sflag:s0] =	ssyncadd.remote.s32 $0x1  }
0xbf: {  	_ =	sfence.sel $0xFFFF  }
0xc0: {  	[dreg:$0x0] =	wrdreg $0xFFFFFFFF;
	(pc) =	sbr.abs _section_cstart, $3  }
0xc1: {  	[dreg:$0x1] =	wrdreg $0xFFFFFFFF  }
0xc2: {  	_ =	task.clear_ibuf [dreg:s7], $0x2FFFF;
	_ =	strace $0x9FFFFFFF  }
0xc3: {  	(tm) =	ssettm $0x7FFFFFFF  }
tec
execute0_lowered:
.L_overlay_start_1:
0x0: {  	(tag) =	ssettag $0x1  }
0x1: {  	s2 =	rddreg [dreg:$0x0]  }
0x2: {  	s1 =	srdreg.scid;
	s7 =	rddreg [dreg:$0x1]  }
0x3: {  	s0 =	stileid.u32;
	s3 =	rddreg [dreg:$0x2];
	s4 =	simm.s32 $0x0  }
0x4: {  	s15 =	simm.s32 $0x5000;
	s16 =	simm.s32 $0x1;
	s17 =	simm.s32 $0x0  }
0x5: {  	s5 =	sand.u32 $0x1, s1;
	s6 =	smul.u32 $0x2800, s0;
	s1 =	rddreg [dreg:$0x3]  }
0x6: {  	[smem:$0x7FF] =	sst s4;
	s11 =	smul.u32 $0x50000, s0;
	s31 =	sshll.u32 s0, $0x6  }
0x7: {  	s8 =	smul.u32 $0x28000, s5;
	_ =	strace $0x80000047;
	s5 =	ssub.s32 $0x2, s5  }
0x8: {  	s10 =	sshrl.u32 s6, $0x3;
	s12 =	sadd.s32 s6, s7;
	s29 =	sshrl.u32 s5, $0x1  }
0x9: {  	s30 =	sshrl.u32 s11, $0x2;
	s11 =	simm.s32 $0x2800;
	s8 =	sadd.s32 s6, s8  }
0xa: {  	s10 =	sadd.s32 s10, s7;
	s13 =	ssub.s32 s5, s29;
	s14 =	sadd.s32 s30, s3  }
0xb: {  	s9 =	sshrl.u32 s8, $0x3;
	s8 =	sadd.s32 s8, s7;
	s6 =	sadd.s32 $0x1E00, s10  }
0xc: {  	s10 =	simm.s32 $0x2;
	s9 =	sadd.s32 s9, s7;
	s7 =	sadd.s32 $0x10E00, s12  }
0xd: {  	s8 =	sadd.s32 $0x38E00, s8;
	s12 =	sor.u32 $0x1C02, s31;
	s5 =	sadd.s32 $0x6E00, s9  }
0xe: {  	s9 =	smax.u32 s13, $0x1;
	s13 =	sshrl.u32 s14, $0x3;
	s14 =	simm.s32 $0x7D  }
.LBB2_1:
0xf: {  	[tilespmem:s4], [sflag:$0x2] =	stream.linear.gather [hbm4b:s5+s4], $0x2800, $0x38;
	[tilespmem:$0x1D000] =	vst v63  }
0x10: {  	_ =	swait.ge [sflag:s10], $0x2800  }
0x11: {  	[sflag:s10] =	ssyncset.done $0x0  }
0x12: {  	[sflag:s10] =	ssyncadd.s32 $0xFFFFD800  }
0x13: {  	[tilespmem:s11], [sflag:$0x2] =	stream.linear.gather [hbm4b:s6+s4], $0x2800, $0x38;
	[tilespmem:$0x1D000] =	vst v63  }
0x14: {  	_ =	swait.ge [sflag:s10], $0x2800  }
0x15: {  	[sflag:s10] =	ssyncset.done $0x0  }
0x16: {  	[sflag:s10] =	ssyncadd.s32 $0xFFFFD800  }
0x17: {  	[spmem:s13], [sflag:s12] =	dma.local [hbm:s7], $0x2800  }
0x18: {  	_ =	swait.ge [sflag:s10], $0x2800  }
0x19: {  	[sflag:s10] =	ssyncset.done $0x0  }
0x1a: {  	[sflag:s10] =	ssyncadd.s32 $0xFFFFD800  }
0x1b: {  	s18 =	simm.s32 $0x0;
	[bflag:$0x0] =	sbarrier.arrive $0xFFFF  }
0x1c: {  	[tilespmem:s15], [sflag:$0x1] =	stream.indirect.gather [hbm4b:s2+s14], $0x80, s18, s14, $0xb8;
	[tilespmem:$0x1D000] =	vst v63  }
0x1d: {  	_ =	swait.ge [sflag:s16], $0x3E80  }
0x1e: {  	[sflag:s16] =	ssyncset.done $0x0  }
0x1f: {  	s31 =	simm.s32 $0x2800;
	[sflag:s16] =	ssyncadd.s32 $0xFFFFC180  }
0x20: {  	[spmem:s3] =	stream.indirect.scatter.add.f32 [tilespmem:s15], [sflag:$0x2], $0x80, s31, s14, $0xb8;
	[tilespmem:$0x1D000] =	vst v63  }
0x21: {  	_ =	swait.ge [sflag:s10], $0x3E80  }
0x22: {  	s19 =	simm.s32 $0x400;
	s18 =	simm.s32 $0x200;
	[sflag:s10] =	ssyncset.done $0x0  }
.LBB2_2:
0x23: {  	s20 =	sshra.s32 s18, $0x2  }
0x24: {  	[sflag:s10] =	ssyncadd.s32 $0xFFFFC180;
	s18 =	smov.u32 s19;
	s21 =	sadd.s32 $0x200, s19  }
0x25: {  	[tilespmem:s15], [sflag:$0x1] =	stream.indirect.gather [hbm4b:s2+s14], $0x80, s20, s14, $0xb8;
	[tilespmem:$0x1D000] =	vst v63  }
0x26: {  	p0 =	sne.s32 s19, $0x9E00;
	_ =	swait.ge [sflag:s16], $0x3E80  }
.Ltmp0:
0x27: {  	[sflag:s16] =	ssyncset.done $0x0;
	(pc) =	sbr.rel @p0 .LBB2_2-.Ltmp0, $4  }
0x28: {  	s19 =	sadd.s32 $0x2800, s20;
	[sflag:s16] =	ssyncadd.s32 $0xFFFFC180  }
0x29: {  	[spmem:s3] =	stream.indirect.scatter.add.f32 [tilespmem:s15], [sflag:$0x2], $0x80, s19, s14, $0xb8;
	[tilespmem:$0x1D000] =	vst v63  }
0x2a: {  	_ =	swait.ge [sflag:s10], $0x3E80  }
0x2b: {  	s19 =	smov.u32 s21;
	[sflag:s10] =	ssyncset.done $0x0  }
0x2c: {  	s18 =	sshra.s32 s18, $0x2;
	[sflag:s10] =	ssyncadd.s32 $0xFFFFC180  }
0x2d: {  	[tilespmem:s15], [sflag:$0x1] =	stream.indirect.gather [hbm4b:s2+s14], $0x80, s18, s14, $0xb8;
	[tilespmem:$0x1D000] =	vst v63  }
0x2e: {  	_ =	swait.ge [sflag:s16], $0x3E80  }
0x2f: {  	[sflag:s16] =	ssyncset.done $0x0  }
0x30: {  	s18 =	sadd.s32 $0x2800, s18;
	[sflag:s16] =	ssyncadd.s32 $0xFFFFC180  }
0x31: {  	[spmem:s3] =	stream.indirect.scatter.add.f32 [tilespmem:s15], [sflag:$0x2], $0x80, s18, s14, $0xb8;
	[tilespmem:$0x1D000] =	vst v63  }
0x32: {  	_ =	swait.ge [sflag:s10], $0x3E80  }
0x33: {  	s17 =	sadd.s32 $0x1, s17;
	[sflag:s10] =	ssyncset.done $0x0  }
0x34: {  	p0 =	sne.s32 s17, s9;
	[sflag:s10] =	ssyncadd.s32 $0xFFFFC180  }
.Ltmp1:
0x35: {  	[bflag:$0x0] =	sbarrier.arrive $0xFFFF;
	(pc) =	sbr.rel @p0 .LBB2_1-.Ltmp1, $4  }
0x36: {  	[hbm:s8], [sflag:s12] =	dma.local [spmem:s13], $0x2800  }
0x37: {  	_ =	swait.ge [sflag:s10], $0x2800  }
0x38: {  	[sflag:s10] =	ssyncset.done $0x0  }
0x39: {  	[sflag:s10] =	ssyncadd.s32 $0xFFFFD800  }
0x3a: {  	_ =	sfence.sel $0x180000  }
0x3b: {  	[bflag:$0x0] =	sbarrier.arrive $0xFFFF  }
0x3c: {  	p0 =	sne.s32 s0, $0x0;
	_ =	strace $0x90000047  }
0x3d: {  	s0 =	sadd.s32 @!p0 $0x100000, s1;
	[bflag:$0x2] =	sbarrier.arrive $0xFFFF  }
0x3e: {  	[sflag:s0] =	ssyncadd.tile.s32 @!p0 $0x1;
	_ =	shalt  }
.Lfunc_end2:
_tile_overlayer_lowered:
.L_overlay_start_2:
0x3f: {  	(tag) =	ssettag $0x2  }
0x40: {  	s0 =	rddreg [dreg:$0x0];
	s2 =	stileid.u32  }
0x41: {  	s1 =	rddreg [dreg:$0x1];
	p0 =	sne.s32 s2, $0x0  }
0x42: {  	s3 =	rddreg [dreg:$0x2];
	[bflag:$0x3] =	sbarrier.arrive $0xFFFF;
	s2 =	simm.s32 @!p0 $0x1C02  }
0x43: {  	[timem:s3], [sflag:s2] =	dma.local @!p0 [hbm:s0], s1  }
0x44: {  	s0 =	simm.s32 @!p0 $0x2  }
0x45: {  	_ =	swait.ge @!p0 [sflag:s0], s1  }
0x46: {  	s1 =	ssub.s32 @!p0 $0x0, s1;
	[sflag:s0] =	ssyncset.done @!p0 $0x0  }
0x47: {  	[sflag:s0] =	ssyncadd.s32 @!p0 s1  }
0x48: {  	[bflag:$0x3] =	sbarrier.arrive $0xFFFF  }
0x49: {  	_ =	shalt  }

</sc_bundles>
